<compile_context>
chip_gen: v7x
topology: tpu7x:2x2x1
jax: 0.10.2.dev20260603
libtpu: 0.0.44.dev20260713+nightly
codegen_flags: <defaults>
</compile_context>

<pallas_src>
import functools

import jax
import jax.numpy as jnp
from jax import lax
from jax.experimental import pallas as pl
from jax.experimental.pallas import tpu as pltpu
from jax.experimental.pallas import tpu_sc as plsc

DIM = 128
N_NODES = 10000
N_EDGES = 320000
N_ROWS = 3000

NC = 2
NS = 16
NW = NC * NS
B_PER_W = N_EDGES // NW
CHUNK = 80
N_CHUNKS = B_PER_W // CHUNK
LANES = 16
NBUF = 6
GROUPS = (N_CHUNKS + NBUF - 1) // NBUF
STAGE = N_ROWS // NS


def _edge_embed(node_type, edge_index, table):
    mesh = plsc.VectorSubcoreMesh(core_axis_name="c", subcore_axis_name="s")

    @functools.partial(
        pl.kernel,
        mesh=mesh,
        out_type=jax.ShapeDtypeStruct((N_EDGES, DIM), jnp.float32),
        scratch_types=[
            pltpu.VMEM((N_NODES,), jnp.int32),
            pltpu.VMEM((B_PER_W,), jnp.int32),
            pltpu.VMEM((B_PER_W,), jnp.int32),
            pltpu.VMEM((B_PER_W,), jnp.int32),
            pltpu.VMEM((NBUF, CHUNK, DIM), jnp.float32),
            pltpu.VMEM_SHARED((N_ROWS, DIM), jnp.float32),
            pltpu.SemaphoreType.DMA((NBUF,)),
            pltpu.SemaphoreType.DMA((NBUF,)),
            pltpu.SemaphoreType.DMA((4,)),
        ],
        compiler_params=pltpu.CompilerParams(needs_layout_passes=False),
    )
    def k(nt_hbm, src_hbm, dst_hbm, tbl_hbm, out_hbm,
          nt_v, src_v, dst_v, et_v, rows_v, tbl_sh, gsem, osem, isem):
        sid = lax.axis_index("s")
        wid = sid * NC + lax.axis_index("c")
        base = wid * B_PER_W

        @pl.when(sid < 15)
        def _():
            pltpu.async_copy(
                tbl_hbm.at[pl.ds(sid * 200, 200)],
                tbl_sh.at[pl.ds(sid * 200, 200)],
                isem.at[0],
            )

        pltpu.async_copy(nt_hbm, nt_v, isem.at[1])
        pltpu.async_copy(src_hbm.at[pl.ds(base, B_PER_W)], src_v, isem.at[2])
        pltpu.async_copy(dst_hbm.at[pl.ds(base, B_PER_W)], dst_v, isem.at[3])

        @pl.when(sid < 15)
        def _():
            pltpu.make_async_copy(
                tbl_hbm.at[pl.ds(sid * 200, 200)],
                tbl_sh.at[pl.ds(sid * 200, 200)],
                isem.at[0],
            ).wait()

        pltpu.make_async_copy(nt_hbm, nt_v, isem.at[1]).wait()
        pltpu.make_async_copy(src_hbm.at[pl.ds(base, B_PER_W)], src_v, isem.at[2]).wait()
        pltpu.make_async_copy(dst_hbm.at[pl.ds(base, B_PER_W)], dst_v, isem.at[3]).wait()
        plsc.subcore_barrier()

        def do_group(j, _):
            for b in range(NBUF):
                c = j * NBUF + b

                @pl.when(c < N_CHUNKS)
                def _():
                    for i in range(CHUNK // LANES):
                        off = c * CHUNK + i * LANES
                        s16 = src_v[pl.ds(off, LANES)]
                        d16 = dst_v[pl.ds(off, LANES)]
                        a = plsc.load_gather(nt_v, [s16])
                        bt = plsc.load_gather(nt_v, [d16])
                        ssum = a + bt
                        et_v[pl.ds(off, LANES)] = (
                            jnp.right_shift(ssum * (ssum + 1), 1) + bt
                        )

                    @pl.when(c >= NBUF)
                    def _():
                        pltpu.make_async_copy(
                            rows_v.at[b], out_hbm.at[pl.ds(0, CHUNK)], osem.at[b]
                        ).wait()

                    pltpu.async_copy(
                        tbl_sh.at[et_v.at[pl.ds(c * CHUNK, CHUNK)]],
                        rows_v.at[b],
                        gsem.at[b],
                    )

            for b in range(NBUF):
                c = j * NBUF + b

                @pl.when(c < N_CHUNKS)
                def _():
                    pltpu.make_async_copy(
                        tbl_sh.at[et_v.at[pl.ds(0, CHUNK)]], rows_v.at[b], gsem.at[b]
                    ).wait()
                    pltpu.async_copy(
                        rows_v.at[b], out_hbm.at[pl.ds(base + c * CHUNK, CHUNK)], osem.at[b]
                    )

            return 0

        lax.fori_loop(0, GROUPS, do_group, 0)

        for b in range(NBUF):
            pltpu.make_async_copy(
                rows_v.at[b], out_hbm.at[pl.ds(0, CHUNK)], osem.at[b]
            ).wait()

    return k


def kernel(node_type, edge_index, table):
    table = table.at[0].set(0.0)
    src = edge_index[0]
    dst = edge_index[1]
    return _edge_embed(node_type, edge_index, table)(node_type, src, dst, table)

# --- scband reference (transcript-rebuilt; emitter-appended) ---
"""Pipeline reference for scband-edge-embedding-8220567405011 (READ-ONLY COPY).

The authoritative reference and input builder live on the scoring server;
editing this copy changes nothing except your own understanding.
"""

import jax, jax.numpy as jnp
import numpy as np

DIM = 128
EDGE_NUM = 3000
N_NODES = 10000
N_EDGES = 320000
MAX_NODE_TYPE = 30


def setup_inputs(seed: int = 0) -> dict:
    key = jax.random.key(seed)
    k1, k2, k3 = jax.random.split(key, 3)
    node_type = jax.random.randint(k1, (N_NODES,), 0, MAX_NODE_TYPE, dtype=jnp.int32)
    edge_index = jax.random.randint(k2, (2, N_EDGES), 0, N_NODES, dtype=jnp.int32)
    table = jax.random.normal(k3, (EDGE_NUM, DIM), dtype=jnp.float32) * 0.02
    # padding_idx=0: row 0 is zeros
    table = table.at[0].set(0.0)
    return {"node_type": node_type, "edge_index": edge_index, "table": table}


def gen_uniq_from_nums(a, b):
    # Cantor pairing: (a + b) * (a + b + 1) / 2 + b
    s = a + b
    return (s * (s + 1)) // 2 + b


def reference(node_type, edge_index, table):
    src = edge_index[0]
    dst = edge_index[1]
    atom_type_x = jnp.take(node_type, src, axis=0)
    atom_type_y = jnp.take(node_type, dst, axis=0)
    edge_type = gen_uniq_from_nums(atom_type_x, atom_type_y).astype(jnp.int32)
    # enforce padding_idx=0 semantics (row 0 fixed at zero)
    table_eff = table.at[0].set(0.0)
    return jnp.take(table_eff, edge_type, axis=0)

if __name__ == "__main__":
    import jax
    _d = setup_inputs()
    print(jax.jit(kernel)(*tuple(_d.values())))

</pallas_src>

<mosaic_0001>
#map = affine_map<(d0, d1) -> (0)>
#map1 = affine_map<(d0, d1) -> (0, 0)>
module attributes {stable_mosaic.version = 14 : i64} {
  func.func @k(%arg0: i32, %arg1: i32, %arg2: memref<10000xi32, #tpu.memory_space<hbm>>, %arg3: memref<320000xi32, #tpu.memory_space<hbm>>, %arg4: memref<320000xi32, #tpu.memory_space<hbm>>, %arg5: memref<3000x128xf32, #tpu.memory_space<hbm>>, %arg6: memref<320000x128xf32, #tpu.memory_space<hbm>>, %arg7: memref<10000xi32, #tpu.memory_space<vmem>>, %arg8: memref<10000xi32, #tpu.memory_space<vmem>>, %arg9: memref<10000xi32, #tpu.memory_space<vmem>>, %arg10: memref<10000xi32, #tpu.memory_space<vmem>>, %arg11: memref<6x80x128xf32, #tpu.memory_space<vmem>>, %arg12: memref<3000x128xf32, #tpu.memory_space<vmem_shared>>, %arg13: memref<6x!tpu.dma_semaphore, #tpu.memory_space<semaphore_mem>>, %arg14: memref<6x!tpu.dma_semaphore, #tpu.memory_space<semaphore_mem>>, %arg15: memref<4x!tpu.dma_semaphore, #tpu.memory_space<semaphore_mem>>) attributes {dimension_semantics = [#tpu.dimension_semantics<core_parallel>, #tpu.dimension_semantics<subcore_parallel>], iteration_bounds = array<i64: 2, 16>, scalar_prefetch = 0 : i64, scratch_operands = 9 : i64, tpu.core_type = #tpu.core_type<sc_vector_subcore>, window_params = [{transform_indices = #map}, {transform_indices = #map}, {transform_indices = #map}, {transform_indices = #map1}, {transform_indices = #map1}]} {
    %mul3A = arith.constant 2 : i32
    %mul3A_0 = arith.muli %arg1, %mul3A : i32
    %add3A = arith.addi %mul3A_0, %arg0 : i32
    %mul3A_1 = arith.constant 10000 : i32
    %mul3A_2 = arith.muli %add3A, %mul3A_1 : i32
    %lt3A = arith.constant 15 : i32
    %lt3A_3 = arith.cmpi slt, %arg1, %lt3A : i32
    %convert_element_type3A = arith.extui %lt3A_3 : i1 to i32
    %cond3A = arith.constant 0 : i32
    %cond3A_4 = arith.cmpi ne, %convert_element_type3A, %cond3A : i32
    scf.if %cond3A_4 {
      %mul3A_148 = arith.constant 200 : i32
      %mul3A_149 = arith.muli %arg1, %mul3A_148 : i32
      %mul3A_150 = arith.constant 200 : i32
      %mul3A_151 = arith.muli %arg1, %mul3A_150 : i32
      %dma_start3A_152 = arith.constant 0 : i32
      %dma_start3A_153 = tpu.memref_slice %arg15[%dma_start3A_152] : memref<4x!tpu.dma_semaphore, #tpu.memory_space<semaphore_mem>> -> memref<1x!tpu.dma_semaphore, #tpu.memory_space<semaphore_mem>>
      %dma_start3A_154 = tpu.memref_squeeze %dma_start3A_153 : memref<1x!tpu.dma_semaphore, #tpu.memory_space<semaphore_mem>> -> memref<!tpu.dma_semaphore, #tpu.memory_space<semaphore_mem>>
      %dma_start3A_155 = arith.constant 0 : i32
      %dma_start3A_156 = tpu.memref_slice %arg12[%mul3A_151, %dma_start3A_155] : memref<3000x128xf32, #tpu.memory_space<vmem_shared>> -> memref<200x128xf32, #tpu.memory_space<vmem_shared>>
      %dma_start3A_157 = arith.constant 0 : i32
      %dma_start3A_158 = tpu.memref_slice %arg5[%mul3A_149, %dma_start3A_157] : memref<3000x128xf32, #tpu.memory_space<hbm>> -> memref<200x128xf32, #tpu.memory_space<hbm>>
      tpu.enqueue_dma source(%dma_start3A_158 : memref<200x128xf32, #tpu.memory_space<hbm>>) target(%dma_start3A_156 : memref<200x128xf32, #tpu.memory_space<vmem_shared>>) target_semaphore(%dma_start3A_154 : memref<!tpu.dma_semaphore, #tpu.memory_space<semaphore_mem>>)
    } else {
    }
    %dma_start3A = arith.constant 1 : i32
    %dma_start3A_5 = tpu.memref_slice %arg15[%dma_start3A] : memref<4x!tpu.dma_semaphore, #tpu.memory_space<semaphore_mem>> -> memref<1x!tpu.dma_semaphore, #tpu.memory_space<semaphore_mem>>
    %dma_start3A_6 = tpu.memref_squeeze %dma_start3A_5 : memref<1x!tpu.dma_semaphore, #tpu.memory_space<semaphore_mem>> -> memref<!tpu.dma_semaphore, #tpu.memory_space<semaphore_mem>>
    tpu.enqueue_dma source(%arg2 : memref<10000xi32, #tpu.memory_space<hbm>>) target(%arg7 : memref<10000xi32, #tpu.memory_space<vmem>>) target_semaphore(%dma_start3A_6 : memref<!tpu.dma_semaphore, #tpu.memory_space<semaphore_mem>>)
    %dma_start3A_7 = arith.constant 2 : i32
    %dma_start3A_8 = tpu.memref_slice %arg3[%mul3A_2] : memref<320000xi32, #tpu.memory_space<hbm>> -> memref<10000xi32, #tpu.memory_space<hbm>>
    %dma_start3A_9 = tpu.memref_slice %arg15[%dma_start3A_7] : memref<4x!tpu.dma_semaphore, #tpu.memory_space<semaphore_mem>> -> memref<1x!tpu.dma_semaphore, #tpu.memory_space<semaphore_mem>>
    %dma_start3A_10 = tpu.memref_squeeze %dma_start3A_9 : memref<1x!tpu.dma_semaphore, #tpu.memory_space<semaphore_mem>> -> memref<!tpu.dma_semaphore, #tpu.memory_space<semaphore_mem>>
    %dma_start3A_11 = tpu.memref_slice %arg3[%mul3A_2] : memref<320000xi32, #tpu.memory_space<hbm>> -> memref<10000xi32, #tpu.memory_space<hbm>>
    tpu.enqueue_dma source(%dma_start3A_11 : memref<10000xi32, #tpu.memory_space<hbm>>) target(%arg8 : memref<10000xi32, #tpu.memory_space<vmem>>) target_semaphore(%dma_start3A_10 : memref<!tpu.dma_semaphore, #tpu.memory_space<semaphore_mem>>)
    %dma_start3A_12 = arith.constant 3 : i32
    %dma_start3A_13 = tpu.memref_slice %arg4[%mul3A_2] : memref<320000xi32, #tpu.memory_space<hbm>> -> memref<10000xi32, #tpu.memory_space<hbm>>
    %dma_start3A_14 = tpu.memref_slice %arg15[%dma_start3A_12] : memref<4x!tpu.dma_semaphore, #tpu.memory_space<semaphore_mem>> -> memref<1x!tpu.dma_semaphore, #tpu.memory_space<semaphore_mem>>
    %dma_start3A_15 = tpu.memref_squeeze %dma_start3A_14 : memref<1x!tpu.dma_semaphore, #tpu.memory_space<semaphore_mem>> -> memref<!tpu.dma_semaphore, #tpu.memory_space<semaphore_mem>>
    %dma_start3A_16 = tpu.memref_slice %arg4[%mul3A_2] : memref<320000xi32, #tpu.memory_space<hbm>> -> memref<10000xi32, #tpu.memory_space<hbm>>
    tpu.enqueue_dma source(%dma_start3A_16 : memref<10000xi32, #tpu.memory_space<hbm>>) target(%arg9 : memref<10000xi32, #tpu.memory_space<vmem>>) target_semaphore(%dma_start3A_15 : memref<!tpu.dma_semaphore, #tpu.memory_space<semaphore_mem>>)
    %lt3A_17 = arith.constant 15 : i32
    %lt3A_18 = arith.cmpi slt, %arg1, %lt3A_17 : i32
    %convert_element_type3A_19 = arith.extui %lt3A_18 : i1 to i32
    %cond3A_20 = arith.constant 0 : i32
    %cond3A_21 = arith.cmpi ne, %convert_element_type3A_19, %cond3A_20 : i32
    scf.if %cond3A_21 {
      %mul3A_148 = arith.constant 200 : i32
      %mul3A_149 = arith.muli %arg1, %mul3A_148 : i32
      %mul3A_150 = arith.constant 200 : i32
      %mul3A_151 = arith.muli %arg1, %mul3A_150 : i32
      %dma_wait3A_152 = arith.constant 0 : i32
      %dma_wait3A_153 = tpu.memref_slice %arg15[%dma_wait3A_152] : memref<4x!tpu.dma_semaphore, #tpu.memory_space<semaphore_mem>> -> memref<1x!tpu.dma_semaphore, #tpu.memory_space<semaphore_mem>>
      %dma_wait3A_154 = tpu.memref_squeeze %dma_wait3A_153 : memref<1x!tpu.dma_semaphore, #tpu.memory_space<semaphore_mem>> -> memref<!tpu.dma_semaphore, #tpu.memory_space<semaphore_mem>>
      %dma_wait3A_155 = arith.constant 0 : i32
      %dma_wait3A_156 = tpu.memref_slice %arg12[%mul3A_151, %dma_wait3A_155] : memref<3000x128xf32, #tpu.memory_space<vmem_shared>> -> memref<200x128xf32, #tpu.memory_space<vmem_shared>>
      %dma_wait3A_157 = arith.constant 0 : i32
      %dma_wait3A_158 = tpu.memref_slice %arg5[%mul3A_149, %dma_wait3A_157] : memref<3000x128xf32, #tpu.memory_space<hbm>> -> memref<200x128xf32, #tpu.memory_space<hbm>>
      tpu.wait_dma2 semaphore(%dma_wait3A_154 : memref<!tpu.dma_semaphore, #tpu.memory_space<semaphore_mem>>) src(%dma_wait3A_158 : memref<200x128xf32, #tpu.memory_space<hbm>>) dst(%dma_wait3A_156 : memref<200x128xf32, #tpu.memory_space<vmem_shared>>)
    } else {
    }
    %dma_wait3A = arith.constant 1 : i32
    %dma_wait3A_22 = tpu.memref_slice %arg15[%dma_wait3A] : memref<4x!tpu.dma_semaphore, #tpu.memory_space<semaphore_mem>> -> memref<1x!tpu.dma_semaphore, #tpu.memory_space<semaphore_mem>>
    %dma_wait3A_23 = tpu.memref_squeeze %dma_wait3A_22 : memref<1x!tpu.dma_semaphore, #tpu.memory_space<semaphore_mem>> -> memref<!tpu.dma_semaphore, #tpu.memory_space<semaphore_mem>>
    tpu.wait_dma2 semaphore(%dma_wait3A_23 : memref<!tpu.dma_semaphore, #tpu.memory_space<semaphore_mem>>) src(%arg2 : memref<10000xi32, #tpu.memory_space<hbm>>) dst(%arg7 : memref<10000xi32, #tpu.memory_space<vmem>>)
    %dma_wait3A_24 = arith.constant 2 : i32
    %dma_wait3A_25 = tpu.memref_slice %arg3[%mul3A_2] : memref<320000xi32, #tpu.memory_space<hbm>> -> memref<10000xi32, #tpu.memory_space<hbm>>
    %dma_wait3A_26 = tpu.memref_slice %arg15[%dma_wait3A_24] : memref<4x!tpu.dma_semaphore, #tpu.memory_space<semaphore_mem>> -> memref<1x!tpu.dma_semaphore, #tpu.memory_space<semaphore_mem>>
    %dma_wait3A_27 = tpu.memref_squeeze %dma_wait3A_26 : memref<1x!tpu.dma_semaphore, #tpu.memory_space<semaphore_mem>> -> memref<!tpu.dma_semaphore, #tpu.memory_space<semaphore_mem>>
    %dma_wait3A_28 = tpu.memref_slice %arg3[%mul3A_2] : memref<320000xi32, #tpu.memory_space<hbm>> -> memref<10000xi32, #tpu.memory_space<hbm>>
    tpu.wait_dma2 semaphore(%dma_wait3A_27 : memref<!tpu.dma_semaphore, #tpu.memory_space<semaphore_mem>>) src(%dma_wait3A_28 : memref<10000xi32, #tpu.memory_space<hbm>>) dst(%arg8 : memref<10000xi32, #tpu.memory_space<vmem>>)
    %dma_wait3A_29 = arith.constant 3 : i32
    %dma_wait3A_30 = tpu.memref_slice %arg4[%mul3A_2] : memref<320000xi32, #tpu.memory_space<hbm>> -> memref<10000xi32, #tpu.memory_space<hbm>>
    %dma_wait3A_31 = tpu.memref_slice %arg15[%dma_wait3A_29] : memref<4x!tpu.dma_semaphore, #tpu.memory_space<semaphore_mem>> -> memref<1x!tpu.dma_semaphore, #tpu.memory_space<semaphore_mem>>
    %dma_wait3A_32 = tpu.memref_squeeze %dma_wait3A_31 : memref<1x!tpu.dma_semaphore, #tpu.memory_space<semaphore_mem>> -> memref<!tpu.dma_semaphore, #tpu.memory_space<semaphore_mem>>
    %dma_wait3A_33 = tpu.memref_slice %arg4[%mul3A_2] : memref<320000xi32, #tpu.memory_space<hbm>> -> memref<10000xi32, #tpu.memory_space<hbm>>
    tpu.wait_dma2 semaphore(%dma_wait3A_32 : memref<!tpu.dma_semaphore, #tpu.memory_space<semaphore_mem>>) src(%dma_wait3A_33 : memref<10000xi32, #tpu.memory_space<hbm>>) dst(%arg9 : memref<10000xi32, #tpu.memory_space<vmem>>)
    %barrier3A = arith.constant 0 : index
    tpu.barrier barrier_id(%barrier3A)
    %scan3A = arith.constant 0 : i32
    %scan3A_34 = arith.constant 0 : i32
    %scan3A_35 = arith.constant 21 : i32
    %scan3A_36 = arith.addi %scan3A_34, %scan3A_35 : i32
    %scan3A_37 = arith.constant 1 : i32
    %scan3A_38 = scf.for %scan3A_148 = %scan3A_34 to %scan3A_36 step %scan3A_37 iter_args(%scan3A_149 = %scan3A) -> (i32)  : i32 {
      %mul3A_150 = arith.constant 6 : i32
      %mul3A_151 = arith.muli %scan3A_148, %mul3A_150 : i32
      %add3A_152 = arith.constant 0 : i32
      %add3A_153 = arith.addi %mul3A_151, %add3A_152 : i32
      %lt3A_154 = arith.constant 125 : i32
      %lt3A_155 = arith.cmpi slt, %add3A_153, %lt3A_154 : i32
      %convert_element_type3A_156 = arith.extui %lt3A_155 : i1 to i32
      %cond3A_157 = arith.constant 0 : i32
      %cond3A_158 = arith.cmpi ne, %convert_element_type3A_156, %cond3A_157 : i32
      scf.if %cond3A_158 {
        %mul3A_259 = arith.constant 80 : i32
        %mul3A_260 = arith.muli %add3A_153, %mul3A_259 : i32
        %add3A_261 = arith.constant 0 : i32
        %add3A_262 = arith.addi %mul3A_260, %add3A_261 : i32
        %get3A = arith.index_cast %add3A_262 : i32 to index
        %get3A_263 = tpu.vector_load %arg8[%get3A] {strides = array<i32>} : memref<10000xi32, #tpu.memory_space<vmem>>, vector<16xi32>,
        %get3A_264 = arith.index_cast %add3A_262 : i32 to index
        %get3A_265 = tpu.vector_load %arg9[%get3A_264] {strides = array<i32>} : memref<10000xi32, #tpu.memory_space<vmem>>, vector<16xi32>,
        %gather3A = tpu.vector_load_idx %arg7[%get3A_263] : memref<10000xi32, #tpu.memory_space<vmem>>[vector<16xi32>], vector<16xi32>,
        %gather3A_266 = tpu.vector_load_idx %arg7[%get3A_265] : memref<10000xi32, #tpu.memory_space<vmem>>[vector<16xi32>], vector<16xi32>,
        %add3A_267 = arith.addi %gather3A, %gather3A_266 : vector<16xi32>
        %add3A_268 = arith.constant 1 : i32
        %add3A_269 = vector.broadcast %add3A_268 : i32 to vector<16xi32>
        %add3A_270 = arith.addi %add3A_267, %add3A_269 : vector<16xi32>
        %mul3A_271 = arith.muli %add3A_267, %add3A_270 : vector<16xi32>
        %shift_right_arithmetic3A = arith.constant 1 : i32
        %shift_right_arithmetic3A_272 = vector.broadcast %shift_right_arithmetic3A : i32 to vector<16xi32>
        %shift_right_arithmetic3A_273 = arith.shrsi %mul3A_271, %shift_right_arithmetic3A_272 : vector<16xi32>
        %add3A_274 = arith.addi %shift_right_arithmetic3A_273, %gather3A_266 : vector<16xi32>
        %swap3A = arith.index_cast %add3A_262 : i32 to index
        %swap3A_275 = tpu.vector_load %arg10[%swap3A] {strides = array<i32>} : memref<10000xi32, #tpu.memory_space<vmem>>, vector<16xi32>,
        tpu.vector_store %arg10[%swap3A], %add3A_274 {strides = array<i32>} : memref<10000xi32, #tpu.memory_space<vmem>>, vector<16xi32>,
        %mul3A_276 = arith.constant 80 : i32
        %mul3A_277 = arith.muli %add3A_153, %mul3A_276 : i32
        %add3A_278 = arith.constant 16 : i32
        %add3A_279 = arith.addi %mul3A_277, %add3A_278 : i32
        %get3A_280 = arith.index_cast %add3A_279 : i32 to index
        %get3A_281 = tpu.vector_load %arg8[%get3A_280] {strides = array<i32>} : memref<10000xi32, #tpu.memory_space<vmem>>, vector<16xi32>,
        %get3A_282 = arith.index_cast %add3A_279 : i32 to index
        %get3A_283 = tpu.vector_load %arg9[%get3A_282] {strides = array<i32>} : memref<10000xi32, #tpu.memory_space<vmem>>, vector<16xi32>,
        %gather3A_284 = tpu.vector_load_idx %arg7[%get3A_281] : memref<10000xi32, #tpu.memory_space<vmem>>[vector<16xi32>], vector<16xi32>,
        %gather3A_285 = tpu.vector_load_idx %arg7[%get3A_283] : memref<10000xi32, #tpu.memory_space<vmem>>[vector<16xi32>], vector<16xi32>,
        %add3A_286 = arith.addi %gather3A_284, %gather3A_285 : vector<16xi32>
        %add3A_287 = arith.constant 1 : i32
        %add3A_288 = vector.broadcast %add3A_287 : i32 to vector<16xi32>
        %add3A_289 = arith.addi %add3A_286, %add3A_288 : vector<16xi32>
        %mul3A_290 = arith.muli %add3A_286, %add3A_289 : vector<16xi32>
        %shift_right_arithmetic3A_291 = arith.constant 1 : i32
        %shift_right_arithmetic3A_292 = vector.broadcast %shift_right_arithmetic3A_291 : i32 to vector<16xi32>
        %shift_right_arithmetic3A_293 = arith.shrsi %mul3A_290, %shift_right_arithmetic3A_292 : vector<16xi32>
        %add3A_294 = arith.addi %shift_right_arithmetic3A_293, %gather3A_285 : vector<16xi32>
        %swap3A_295 = arith.index_cast %add3A_279 : i32 to index
        %swap3A_296 = tpu.vector_load %arg10[%swap3A_295] {strides = array<i32>} : memref<10000xi32, #tpu.memory_space<vmem>>, vector<16xi32>,
        tpu.vector_store %arg10[%swap3A_295], %add3A_294 {strides = array<i32>} : memref<10000xi32, #tpu.memory_space<vmem>>, vector<16xi32>,
        %mul3A_297 = arith.constant 80 : i32
        %mul3A_298 = arith.muli %add3A_153, %mul3A_297 : i32
        %add3A_299 = arith.constant 32 : i32
        %add3A_300 = arith.addi %mul3A_298, %add3A_299 : i32
        %get3A_301 = arith.index_cast %add3A_300 : i32 to index
        %get3A_302 = tpu.vector_load %arg8[%get3A_301] {strides = array<i32>} : memref<10000xi32, #tpu.memory_space<vmem>>, vector<16xi32>,
        %get3A_303 = arith.index_cast %add3A_300 : i32 to index
        %get3A_304 = tpu.vector_load %arg9[%get3A_303] {strides = array<i32>} : memref<10000xi32, #tpu.memory_space<vmem>>, vector<16xi32>,
        %gather3A_305 = tpu.vector_load_idx %arg7[%get3A_302] : memref<10000xi32, #tpu.memory_space<vmem>>[vector<16xi32>], vector<16xi32>,
        %gather3A_306 = tpu.vector_load_idx %arg7[%get3A_304] : memref<10000xi32, #tpu.memory_space<vmem>>[vector<16xi32>], vector<16xi32>,
        %add3A_307 = arith.addi %gather3A_305, %gather3A_306 : vector<16xi32>
        %add3A_308 = arith.constant 1 : i32
        %add3A_309 = vector.broadcast %add3A_308 : i32 to vector<16xi32>
        %add3A_310 = arith.addi %add3A_307, %add3A_309 : vector<16xi32>
        %mul3A_311 = arith.muli %add3A_307, %add3A_310 : vector<16xi32>
        %shift_right_arithmetic3A_312 = arith.constant 1 : i32
        %shift_right_arithmetic3A_313 = vector.broadcast %shift_right_arithmetic3A_312 : i32 to vector<16xi32>
        %shift_right_arithmetic3A_314 = arith.shrsi %mul3A_311, %shift_right_arithmetic3A_313 : vector<16xi32>
        %add3A_315 = arith.addi %shift_right_arithmetic3A_314, %gather3A_306 : vector<16xi32>
        %swap3A_316 = arith.index_cast %add3A_300 : i32 to index
        %swap3A_317 = tpu.vector_load %arg10[%swap3A_316] {strides = array<i32>} : memref<10000xi32, #tpu.memory_space<vmem>>, vector<16xi32>,
        tpu.vector_store %arg10[%swap3A_316], %add3A_315 {strides = array<i32>} : memref<10000xi32, #tpu.memory_space<vmem>>, vector<16xi32>,
        %mul3A_318 = arith.constant 80 : i32
        %mul3A_319 = arith.muli %add3A_153, %mul3A_318 : i32
        %add3A_320 = arith.constant 48 : i32
        %add3A_321 = arith.addi %mul3A_319, %add3A_320 : i32
        %get3A_322 = arith.index_cast %add3A_321 : i32 to index
        %get3A_323 = tpu.vector_load %arg8[%get3A_322] {strides = array<i32>} : memref<10000xi32, #tpu.memory_space<vmem>>, vector<16xi32>,
        %get3A_324 = arith.index_cast %add3A_321 : i32 to index
        %get3A_325 = tpu.vector_load %arg9[%get3A_324] {strides = array<i32>} : memref<10000xi32, #tpu.memory_space<vmem>>, vector<16xi32>,
        %gather3A_326 = tpu.vector_load_idx %arg7[%get3A_323] : memref<10000xi32, #tpu.memory_space<vmem>>[vector<16xi32>], vector<16xi32>,
        %gather3A_327 = tpu.vector_load_idx %arg7[%get3A_325] : memref<10000xi32, #tpu.memory_space<vmem>>[vector<16xi32>], vector<16xi32>,
        %add3A_328 = arith.addi %gather3A_326, %gather3A_327 : vector<16xi32>
        %add3A_329 = arith.constant 1 : i32
        %add3A_330 = vector.broadcast %add3A_329 : i32 to vector<16xi32>
        %add3A_331 = arith.addi %add3A_328, %add3A_330 : vector<16xi32>
        %mul3A_332 = arith.muli %add3A_328, %add3A_331 : vector<16xi32>
        %shift_right_arithmetic3A_333 = arith.constant 1 : i32
        %shift_right_arithmetic3A_334 = vector.broadcast %shift_right_arithmetic3A_333 : i32 to vector<16xi32>
        %shift_right_arithmetic3A_335 = arith.shrsi %mul3A_332, %shift_right_arithmetic3A_334 : vector<16xi32>
        %add3A_336 = arith.addi %shift_right_arithmetic3A_335, %gather3A_327 : vector<16xi32>
        %swap3A_337 = arith.index_cast %add3A_321 : i32 to index
        %swap3A_338 = tpu.vector_load %arg10[%swap3A_337] {strides = array<i32>} : memref<10000xi32, #tpu.memory_space<vmem>>, vector<16xi32>,
        tpu.vector_store %arg10[%swap3A_337], %add3A_336 {strides = array<i32>} : memref<10000xi32, #tpu.memory_space<vmem>>, vector<16xi32>,
        %mul3A_339 = arith.constant 80 : i32
        %mul3A_340 = arith.muli %add3A_153, %mul3A_339 : i32
        %add3A_341 = arith.constant 64 : i32
        %add3A_342 = arith.addi %mul3A_340, %add3A_341 : i32
        %get3A_343 = arith.index_cast %add3A_342 : i32 to index
        %get3A_344 = tpu.vector_load %arg8[%get3A_343] {strides = array<i32>} : memref<10000xi32, #tpu.memory_space<vmem>>, vector<16xi32>,
        %get3A_345 = arith.index_cast %add3A_342 : i32 to index
        %get3A_346 = tpu.vector_load %arg9[%get3A_345] {strides = array<i32>} : memref<10000xi32, #tpu.memory_space<vmem>>, vector<16xi32>,
        %gather3A_347 = tpu.vector_load_idx %arg7[%get3A_344] : memref<10000xi32, #tpu.memory_space<vmem>>[vector<16xi32>], vector<16xi32>,
        %gather3A_348 = tpu.vector_load_idx %arg7[%get3A_346] : memref<10000xi32, #tpu.memory_space<vmem>>[vector<16xi32>], vector<16xi32>,
        %add3A_349 = arith.addi %gather3A_347, %gather3A_348 : vector<16xi32>
        %add3A_350 = arith.constant 1 : i32
        %add3A_351 = vector.broadcast %add3A_350 : i32 to vector<16xi32>
        %add3A_352 = arith.addi %add3A_349, %add3A_351 : vector<16xi32>
        %mul3A_353 = arith.muli %add3A_349, %add3A_352 : vector<16xi32>
        %shift_right_arithmetic3A_354 = arith.constant 1 : i32
        %shift_right_arithmetic3A_355 = vector.broadcast %shift_right_arithmetic3A_354 : i32 to vector<16xi32>
        %shift_right_arithmetic3A_356 = arith.shrsi %mul3A_353, %shift_right_arithmetic3A_355 : vector<16xi32>
        %add3A_357 = arith.addi %shift_right_arithmetic3A_356, %gather3A_348 : vector<16xi32>
        %swap3A_358 = arith.index_cast %add3A_342 : i32 to index
        %swap3A_359 = tpu.vector_load %arg10[%swap3A_358] {strides = array<i32>} : memref<10000xi32, #tpu.memory_space<vmem>>, vector<16xi32>,
        tpu.vector_store %arg10[%swap3A_358], %add3A_357 {strides = array<i32>} : memref<10000xi32, #tpu.memory_space<vmem>>, vector<16xi32>,
        %ge3A = arith.constant 6 : i32
        %ge3A_360 = arith.cmpi sge, %add3A_153, %ge3A : i32
        %convert_element_type3A_361 = arith.extui %ge3A_360 : i1 to i32
        %cond3A_362 = arith.constant 0 : i32
        %cond3A_363 = arith.cmpi ne, %convert_element_type3A_361, %cond3A_362 : i32
        scf.if %cond3A_363 {
          %dma_wait3A_378 = arith.constant 0 : i32
          %dma_wait3A_379 = arith.constant 0 : i32
          %dma_wait3A_380 = arith.constant 0 : i32
          %dma_wait3A_381 = arith.constant 0 : i32
          %dma_wait3A_382 = tpu.memref_slice %arg11[%dma_wait3A_378, %dma_wait3A_380, %dma_wait3A_381] : memref<6x80x128xf32, #tpu.memory_space<vmem>> -> memref<1x80x128xf32, #tpu.memory_space<vmem>>
          %dma_wait3A_383 = tpu.memref_squeeze %dma_wait3A_382 : memref<1x80x128xf32, #tpu.memory_space<vmem>> -> memref<80x128xf32, #tpu.memory_space<vmem>>
          %dma_wait3A_384 = arith.constant 0 : i32
          %dma_wait3A_385 = arith.constant 0 : i32
          %dma_wait3A_386 = tpu.memref_slice %arg6[%dma_wait3A_384, %dma_wait3A_385] : memref<320000x128xf32, #tpu.memory_space<hbm>> -> memref<80x128xf32, #tpu.memory_space<hbm>>
          %dma_wait3A_387 = tpu.memref_slice %arg14[%dma_wait3A_379] : memref<6x!tpu.dma_semaphore, #tpu.memory_space<semaphore_mem>> -> memref<1x!tpu.dma_semaphore, #tpu.memory_space<semaphore_mem>>
          %dma_wait3A_388 = tpu.memref_squeeze %dma_wait3A_387 : memref<1x!tpu.dma_semaphore, #tpu.memory_space<semaphore_mem>> -> memref<!tpu.dma_semaphore, #tpu.memory_space<semaphore_mem>>
          %dma_wait3A_389 = arith.constant 0 : i32
          %dma_wait3A_390 = arith.constant 0 : i32
          %dma_wait3A_391 = tpu.memref_slice %arg6[%dma_wait3A_389, %dma_wait3A_390] : memref<320000x128xf32, #tpu.memory_space<hbm>> -> memref<80x128xf32, #tpu.memory_space<hbm>>
          %dma_wait3A_392 = arith.constant 0 : i32
          %dma_wait3A_393 = arith.constant 0 : i32
          %dma_wait3A_394 = tpu.memref_slice %arg11[%dma_wait3A_378, %dma_wait3A_392, %dma_wait3A_393] : memref<6x80x128xf32, #tpu.memory_space<vmem>> -> memref<1x80x128xf32, #tpu.memory_space<vmem>>
          %dma_wait3A_395 = tpu.memref_squeeze %dma_wait3A_394 : memref<1x80x128xf32, #tpu.memory_space<vmem>> -> memref<80x128xf32, #tpu.memory_space<vmem>>
          tpu.wait_dma2 semaphore(%dma_wait3A_388 : memref<!tpu.dma_semaphore, #tpu.memory_space<semaphore_mem>>) src(%dma_wait3A_395 : memref<80x128xf32, #tpu.memory_space<vmem>>) dst(%dma_wait3A_391 : memref<80x128xf32, #tpu.memory_space<hbm>>)
        } else {
        }
        %mul3A_364 = arith.constant 80 : i32
        %mul3A_365 = arith.muli %add3A_153, %mul3A_364 : i32
        %dma_start3A_366 = arith.constant 0 : i32
        %dma_start3A_367 = arith.constant 0 : i32
        %dma_start3A_368 = arith.constant 0 : i32
        %dma_start3A_369 = arith.constant 0 : i32
        %dma_start3A_370 = tpu.memref_slice %arg11[%dma_start3A_366, %dma_start3A_368, %dma_start3A_369] : memref<6x80x128xf32, #tpu.memory_space<vmem>> -> memref<1x80x128xf32, #tpu.memory_space<vmem>>
        %dma_start3A_371 = tpu.memref_squeeze %dma_start3A_370 : memref<1x80x128xf32, #tpu.memory_space<vmem>> -> memref<80x128xf32, #tpu.memory_space<vmem>>
        %dma_start3A_372 = tpu.memref_slice %arg10[%mul3A_365] : memref<10000xi32, #tpu.memory_space<vmem>> -> memref<80xi32, #tpu.memory_space<vmem>>
        %dma_start3A_373 = arith.constant 0 : i32
        %dma_start3A_374 = arith.constant 0 : i32
        %dma_start3A_375 = tpu.memref_slice %arg12[%dma_start3A_373, %dma_start3A_374] : memref<3000x128xf32, #tpu.memory_space<vmem_shared>> -> memref<3000x128xf32, #tpu.memory_space<vmem_shared>>
        %dma_start3A_376 = tpu.memref_slice %arg13[%dma_start3A_367] : memref<6x!tpu.dma_semaphore, #tpu.memory_space<semaphore_mem>> -> memref<1x!tpu.dma_semaphore, #tpu.memory_space<semaphore_mem>>
        %dma_start3A_377 = tpu.memref_squeeze %dma_start3A_376 : memref<1x!tpu.dma_semaphore, #tpu.memory_space<semaphore_mem>> -> memref<!tpu.dma_semaphore, #tpu.memory_space<semaphore_mem>>
        tpu.enqueue_indirect_dma source(%dma_start3A_375 : memref<3000x128xf32, #tpu.memory_space<vmem_shared>>) target(%dma_start3A_371 : memref<80x128xf32, #tpu.memory_space<vmem>>) offsets(%dma_start3A_372 : memref<80xi32, #tpu.memory_space<vmem>>) semaphore(%dma_start3A_377 : memref<!tpu.dma_semaphore, #tpu.memory_space<semaphore_mem>>)
      } else {
      }
      %mul3A_159 = arith.constant 6 : i32
      %mul3A_160 = arith.muli %scan3A_148, %mul3A_159 : i32
      %add3A_161 = arith.constant 1 : i32
      %add3A_162 = arith.addi %mul3A_160, %add3A_161 : i32
      %lt3A_163 = arith.constant 125 : i32
      %lt3A_164 = arith.cmpi slt, %add3A_162, %lt3A_163 : i32
      %convert_element_type3A_165 = arith.extui %lt3A_164 : i1 to i32
      %cond3A_166 = arith.constant 0 : i32
      %cond3A_167 = arith.cmpi ne, %convert_element_type3A_165, %cond3A_166 : i32
      scf.if %cond3A_167 {
        %mul3A_259 = arith.constant 80 : i32
        %mul3A_260 = arith.muli %add3A_162, %mul3A_259 : i32
        %add3A_261 = arith.constant 0 : i32
        %add3A_262 = arith.addi %mul3A_260, %add3A_261 : i32
        %get3A = arith.index_cast %add3A_262 : i32 to index
        %get3A_263 = tpu.vector_load %arg8[%get3A] {strides = array<i32>} : memref<10000xi32, #tpu.memory_space<vmem>>, vector<16xi32>,
        %get3A_264 = arith.index_cast %add3A_262 : i32 to index
        %get3A_265 = tpu.vector_load %arg9[%get3A_264] {strides = array<i32>} : memref<10000xi32, #tpu.memory_space<vmem>>, vector<16xi32>,
        %gather3A = tpu.vector_load_idx %arg7[%get3A_263] : memref<10000xi32, #tpu.memory_space<vmem>>[vector<16xi32>], vector<16xi32>,
        %gather3A_266 = tpu.vector_load_idx %arg7[%get3A_265] : memref<10000xi32, #tpu.memory_space<vmem>>[vector<16xi32>], vector<16xi32>,
        %add3A_267 = arith.addi %gather3A, %gather3A_266 : vector<16xi32>
        %add3A_268 = arith.constant 1 : i32
        %add3A_269 = vector.broadcast %add3A_268 : i32 to vector<16xi32>
        %add3A_270 = arith.addi %add3A_267, %add3A_269 : vector<16xi32>
        %mul3A_271 = arith.muli %add3A_267, %add3A_270 : vector<16xi32>
        %shift_right_arithmetic3A = arith.constant 1 : i32
        %shift_right_arithmetic3A_272 = vector.broadcast %shift_right_arithmetic3A : i32 to vector<16xi32>
        %shift_right_arithmetic3A_273 = arith.shrsi %mul3A_271, %shift_right_arithmetic3A_272 : vector<16xi32>
        %add3A_274 = arith.addi %shift_right_arithmetic3A_273, %gather3A_266 : vector<16xi32>
        %swap3A = arith.index_cast %add3A_262 : i32 to index
        %swap3A_275 = tpu.vector_load %arg10[%swap3A] {strides = array<i32>} : memref<10000xi32, #tpu.memory_space<vmem>>, vector<16xi32>,
        tpu.vector_store %arg10[%swap3A], %add3A_274 {strides = array<i32>} : memref<10000xi32, #tpu.memory_space<vmem>>, vector<16xi32>,
        %mul3A_276 = arith.constant 80 : i32
        %mul3A_277 = arith.muli %add3A_162, %mul3A_276 : i32
        %add3A_278 = arith.constant 16 : i32
        %add3A_279 = arith.addi %mul3A_277, %add3A_278 : i32
        %get3A_280 = arith.index_cast %add3A_279 : i32 to index
        %get3A_281 = tpu.vector_load %arg8[%get3A_280] {strides = array<i32>} : memref<10000xi32, #tpu.memory_space<vmem>>, vector<16xi32>,
        %get3A_282 = arith.index_cast %add3A_279 : i32 to index
        %get3A_283 = tpu.vector_load %arg9[%get3A_282] {strides = array<i32>} : memref<10000xi32, #tpu.memory_space<vmem>>, vector<16xi32>,
        %gather3A_284 = tpu.vector_load_idx %arg7[%get3A_281] : memref<10000xi32, #tpu.memory_space<vmem>>[vector<16xi32>], vector<16xi32>,
        %gather3A_285 = tpu.vector_load_idx %arg7[%get3A_283] : memref<10000xi32, #tpu.memory_space<vmem>>[vector<16xi32>], vector<16xi32>,
        %add3A_286 = arith.addi %gather3A_284, %gather3A_285 : vector<16xi32>
        %add3A_287 = arith.constant 1 : i32
        %add3A_288 = vector.broadcast %add3A_287 : i32 to vector<16xi32>
        %add3A_289 = arith.addi %add3A_286, %add3A_288 : vector<16xi32>
        %mul3A_290 = arith.muli %add3A_286, %add3A_289 : vector<16xi32>
        %shift_right_arithmetic3A_291 = arith.constant 1 : i32
        %shift_right_arithmetic3A_292 = vector.broadcast %shift_right_arithmetic3A_291 : i32 to vector<16xi32>
        %shift_right_arithmetic3A_293 = arith.shrsi %mul3A_290, %shift_right_arithmetic3A_292 : vector<16xi32>
        %add3A_294 = arith.addi %shift_right_arithmetic3A_293, %gather3A_285 : vector<16xi32>
        %swap3A_295 = arith.index_cast %add3A_279 : i32 to index
        %swap3A_296 = tpu.vector_load %arg10[%swap3A_295] {strides = array<i32>} : memref<10000xi32, #tpu.memory_space<vmem>>, vector<16xi32>,
        tpu.vector_store %arg10[%swap3A_295], %add3A_294 {strides = array<i32>} : memref<10000xi32, #tpu.memory_space<vmem>>, vector<16xi32>,
        %mul3A_297 = arith.constant 80 : i32
        %mul3A_298 = arith.muli %add3A_162, %mul3A_297 : i32
        %add3A_299 = arith.constant 32 : i32
        %add3A_300 = arith.addi %mul3A_298, %add3A_299 : i32
        %get3A_301 = arith.index_cast %add3A_300 : i32 to index
        %get3A_302 = tpu.vector_load %arg8[%get3A_301] {strides = array<i32>} : memref<10000xi32, #tpu.memory_space<vmem>>, vector<16xi32>,
        %get3A_303 = arith.index_cast %add3A_300 : i32 to index
        %get3A_304 = tpu.vector_load %arg9[%get3A_303] {strides = array<i32>} : memref<10000xi32, #tpu.memory_space<vmem>>, vector<16xi32>,
        %gather3A_305 = tpu.vector_load_idx %arg7[%get3A_302] : memref<10000xi32, #tpu.memory_space<vmem>>[vector<16xi32>], vector<16xi32>,
        %gather3A_306 = tpu.vector_load_idx %arg7[%get3A_304] : memref<10000xi32, #tpu.memory_space<vmem>>[vector<16xi32>], vector<16xi32>,
        %add3A_307 = arith.addi %gather3A_305, %gather3A_306 : vector<16xi32>
        %add3A_308 = arith.constant 1 : i32
        %add3A_309 = vector.broadcast %add3A_308 : i32 to vector<16xi32>
        %add3A_310 = arith.addi %add3A_307, %add3A_309 : vector<16xi32>
        %mul3A_311 = arith.muli %add3A_307, %add3A_310 : vector<16xi32>
        %shift_right_arithmetic3A_312 = arith.constant 1 : i32
        %shift_right_arithmetic3A_313 = vector.broadcast %shift_right_arithmetic3A_312 : i32 to vector<16xi32>
        %shift_right_arithmetic3A_314 = arith.shrsi %mul3A_311, %shift_right_arithmetic3A_313 : vector<16xi32>
        %add3A_315 = arith.addi %shift_right_arithmetic3A_314, %gather3A_306 : vector<16xi32>
        %swap3A_316 = arith.index_cast %add3A_300 : i32 to index
        %swap3A_317 = tpu.vector_load %arg10[%swap3A_316] {strides = array<i32>} : memref<10000xi32, #tpu.memory_space<vmem>>, vector<16xi32>,
        tpu.vector_store %arg10[%swap3A_316], %add3A_315 {strides = array<i32>} : memref<10000xi32, #tpu.memory_space<vmem>>, vector<16xi32>,
        %mul3A_318 = arith.constant 80 : i32
        %mul3A_319 = arith.muli %add3A_162, %mul3A_318 : i32
        %add3A_320 = arith.constant 48 : i32
        %add3A_321 = arith.addi %mul3A_319, %add3A_320 : i32
        %get3A_322 = arith.index_cast %add3A_321 : i32 to index
        %get3A_323 = tpu.vector_load %arg8[%get3A_322] {strides = array<i32>} : memref<10000xi32, #tpu.memory_space<vmem>>, vector<16xi32>,
        %get3A_324 = arith.index_cast %add3A_321 : i32 to index
        %get3A_325 = tpu.vector_load %arg9[%get3A_324] {strides = array<i32>} : memref<10000xi32, #tpu.memory_space<vmem>>, vector<16xi32>,
        %gather3A_326 = tpu.vector_load_idx %arg7[%get3A_323] : memref<10000xi32, #tpu.memory_space<vmem>>[vector<16xi32>], vector<16xi32>,
        %gather3A_327 = tpu.vector_load_idx %arg7[%get3A_325] : memref<10000xi32, #tpu.memory_space<vmem>>[vector<16xi32>], vector<16xi32>,
        %add3A_328 = arith.addi %gather3A_326, %gather3A_327 : vector<16xi32>
        %add3A_329 = arith.constant 1 : i32
        %add3A_330 = vector.broadcast %add3A_329 : i32 to vector<16xi32>
        %add3A_331 = arith.addi %add3A_328, %add3A_330 : vector<16xi32>
        %mul3A_332 = arith.muli %add3A_328, %add3A_331 : vector<16xi32>
        %shift_right_arithmetic3A_333 = arith.constant 1 : i32
        %shift_right_arithmetic3A_334 = vector.broadcast %shift_right_arithmetic3A_333 : i32 to vector<16xi32>
        %shift_right_arithmetic3A_335 = arith.shrsi %mul3A_332, %shift_right_arithmetic3A_334 : vector<16xi32>
        %add3A_336 = arith.addi %shift_right_arithmetic3A_335, %gather3A_327 : vector<16xi32>
        %swap3A_337 = arith.index_cast %add3A_321 : i32 to index
        %swap3A_338 = tpu.vector_load %arg10[%swap3A_337] {strides = array<i32>} : memref<10000xi32, #tpu.memory_space<vmem>>, vector<16xi32>,
        tpu.vector_store %arg10[%swap3A_337], %add3A_336 {strides = array<i32>} : memref<10000xi32, #tpu.memory_space<vmem>>, vector<16xi32>,
        %mul3A_339 = arith.constant 80 : i32
        %mul3A_340 = arith.muli %add3A_162, %mul3A_339 : i32
        %add3A_341 = arith.constant 64 : i32
        %add3A_342 = arith.addi %mul3A_340, %add3A_341 : i32
        %get3A_343 = arith.index_cast %add3A_342 : i32 to index
        %get3A_344 = tpu.vector_load %arg8[%get3A_343] {strides = array<i32>} : memref<10000xi32, #tpu.memory_space<vmem>>, vector<16xi32>,
        %get3A_345 = arith.index_cast %add3A_342 : i32 to index
        %get3A_346 = tpu.vector_load %arg9[%get3A_345] {strides = array<i32>} : memref<10000xi32, #tpu.memory_space<vmem>>, vector<16xi32>,
        %gather3A_347 = tpu.vector_load_idx %arg7[%get3A_344] : memref<10000xi32, #tpu.memory_space<vmem>>[vector<16xi32>], vector<16xi32>,
        %gather3A_348 = tpu.vector_load_idx %arg7[%get3A_346] : memref<10000xi32, #tpu.memory_space<vmem>>[vector<16xi32>], vector<16xi32>,
        %add3A_349 = arith.addi %gather3A_347, %gather3A_348 : vector<16xi32>
        %add3A_350 = arith.constant 1 : i32
        %add3A_351 = vector.broadcast %add3A_350 : i32 to vector<16xi32>
        %add3A_352 = arith.addi %add3A_349, %add3A_351 : vector<16xi32>
        %mul3A_353 = arith.muli %add3A_349, %add3A_352 : vector<16xi32>
        %shift_right_arithmetic3A_354 = arith.constant 1 : i32
        %shift_right_arithmetic3A_355 = vector.broadcast %shift_right_arithmetic3A_354 : i32 to vector<16xi32>
        %shift_right_arithmetic3A_356 = arith.shrsi %mul3A_353, %shift_right_arithmetic3A_355 : vector<16xi32>
        %add3A_357 = arith.addi %shift_right_arithmetic3A_356, %gather3A_348 : vector<16xi32>
        %swap3A_358 = arith.index_cast %add3A_342 : i32 to index
        %swap3A_359 = tpu.vector_load %arg10[%swap3A_358] {strides = array<i32>} : memref<10000xi32, #tpu.memory_space<vmem>>, vector<16xi32>,
        tpu.vector_store %arg10[%swap3A_358], %add3A_357 {strides = array<i32>} : memref<10000xi32, #tpu.memory_space<vmem>>, vector<16xi32>,
        %ge3A = arith.constant 6 : i32
        %ge3A_360 = arith.cmpi sge, %add3A_162, %ge3A : i32
        %convert_element_type3A_361 = arith.extui %ge3A_360 : i1 to i32
        %cond3A_362 = arith.constant 0 : i32
        %cond3A_363 = arith.cmpi ne, %convert_element_type3A_361, %cond3A_362 : i32
        scf.if %cond3A_363 {
          %dma_wait3A_378 = arith.constant 1 : i32
          %dma_wait3A_379 = arith.constant 1 : i32
          %dma_wait3A_380 = arith.constant 0 : i32
          %dma_wait3A_381 = arith.constant 0 : i32
          %dma_wait3A_382 = tpu.memref_slice %arg11[%dma_wait3A_378, %dma_wait3A_380, %dma_wait3A_381] : memref<6x80x128xf32, #tpu.memory_space<vmem>> -> memref<1x80x128xf32, #tpu.memory_space<vmem>>
          %dma_wait3A_383 = tpu.memref_squeeze %dma_wait3A_382 : memref<1x80x128xf32, #tpu.memory_space<vmem>> -> memref<80x128xf32, #tpu.memory_space<vmem>>
          %dma_wait3A_384 = arith.constant 0 : i32
          %dma_wait3A_385 = arith.constant 0 : i32
          %dma_wait3A_386 = tpu.memref_slice %arg6[%dma_wait3A_384, %dma_wait3A_385] : memref<320000x128xf32, #tpu.memory_space<hbm>> -> memref<80x128xf32, #tpu.memory_space<hbm>>
          %dma_wait3A_387 = tpu.memref_slice %arg14[%dma_wait3A_379] : memref<6x!tpu.dma_semaphore, #tpu.memory_space<semaphore_mem>> -> memref<1x!tpu.dma_semaphore, #tpu.memory_space<semaphore_mem>>
          %dma_wait3A_388 = tpu.memref_squeeze %dma_wait3A_387 : memref<1x!tpu.dma_semaphore, #tpu.memory_space<semaphore_mem>> -> memref<!tpu.dma_semaphore, #tpu.memory_space<semaphore_mem>>
          %dma_wait3A_389 = arith.constant 0 : i32
          %dma_wait3A_390 = arith.constant 0 : i32
          %dma_wait3A_391 = tpu.memref_slice %arg6[%dma_wait3A_389, %dma_wait3A_390] : memref<320000x128xf32, #tpu.memory_space<hbm>> -> memref<80x128xf32, #tpu.memory_space<hbm>>
          %dma_wait3A_392 = arith.constant 0 : i32
          %dma_wait3A_393 = arith.constant 0 : i32
          %dma_wait3A_394 = tpu.memref_slice %arg11[%dma_wait3A_378, %dma_wait3A_392, %dma_wait3A_393] : memref<6x80x128xf32, #tpu.memory_space<vmem>> -> memref<1x80x128xf32, #tpu.memory_space<vmem>>
          %dma_wait3A_395 = tpu.memref_squeeze %dma_wait3A_394 : memref<1x80x128xf32, #tpu.memory_space<vmem>> -> memref<80x128xf32, #tpu.memory_space<vmem>>
          tpu.wait_dma2 semaphore(%dma_wait3A_388 : memref<!tpu.dma_semaphore, #tpu.memory_space<semaphore_mem>>) src(%dma_wait3A_395 : memref<80x128xf32, #tpu.memory_space<vmem>>) dst(%dma_wait3A_391 : memref<80x128xf32, #tpu.memory_space<hbm>>)
        } else {
        }
        %mul3A_364 = arith.constant 80 : i32
        %mul3A_365 = arith.muli %add3A_162, %mul3A_364 : i32
        %dma_start3A_366 = arith.constant 1 : i32
        %dma_start3A_367 = arith.constant 1 : i32
        %dma_start3A_368 = arith.constant 0 : i32
        %dma_start3A_369 = arith.constant 0 : i32
        %dma_start3A_370 = tpu.memref_slice %arg11[%dma_start3A_366, %dma_start3A_368, %dma_start3A_369] : memref<6x80x128xf32, #tpu.memory_space<vmem>> -> memref<1x80x128xf32, #tpu.memory_space<vmem>>
        %dma_start3A_371 = tpu.memref_squeeze %dma_start3A_370 : memref<1x80x128xf32, #tpu.memory_space<vmem>> -> memref<80x128xf32, #tpu.memory_space<vmem>>
        %dma_start3A_372 = tpu.memref_slice %arg10[%mul3A_365] : memref<10000xi32, #tpu.memory_space<vmem>> -> memref<80xi32, #tpu.memory_space<vmem>>
        %dma_start3A_373 = arith.constant 0 : i32
        %dma_start3A_374 = arith.constant 0 : i32
        %dma_start3A_375 = tpu.memref_slice %arg12[%dma_start3A_373, %dma_start3A_374] : memref<3000x128xf32, #tpu.memory_space<vmem_shared>> -> memref<3000x128xf32, #tpu.memory_space<vmem_shared>>
        %dma_start3A_376 = tpu.memref_slice %arg13[%dma_start3A_367] : memref<6x!tpu.dma_semaphore, #tpu.memory_space<semaphore_mem>> -> memref<1x!tpu.dma_semaphore, #tpu.memory_space<semaphore_mem>>
        %dma_start3A_377 = tpu.memref_squeeze %dma_start3A_376 : memref<1x!tpu.dma_semaphore, #tpu.memory_space<semaphore_mem>> -> memref<!tpu.dma_semaphore, #tpu.memory_space<semaphore_mem>>
        tpu.enqueue_indirect_dma source(%dma_start3A_375 : memref<3000x128xf32, #tpu.memory_space<vmem_shared>>) target(%dma_start3A_371 : memref<80x128xf32, #tpu.memory_space<vmem>>) offsets(%dma_start3A_372 : memref<80xi32, #tpu.memory_space<vmem>>) semaphore(%dma_start3A_377 : memref<!tpu.dma_semaphore, #tpu.memory_space<semaphore_mem>>)
      } else {
      }
      %mul3A_168 = arith.constant 6 : i32
      %mul3A_169 = arith.muli %scan3A_148, %mul3A_168 : i32
      %add3A_170 = arith.constant 2 : i32
      %add3A_171 = arith.addi %mul3A_169, %add3A_170 : i32
      %lt3A_172 = arith.constant 125 : i32
      %lt3A_173 = arith.cmpi slt, %add3A_171, %lt3A_172 : i32
      %convert_element_type3A_174 = arith.extui %lt3A_173 : i1 to i32
      %cond3A_175 = arith.constant 0 : i32
      %cond3A_176 = arith.cmpi ne, %convert_element_type3A_174, %cond3A_175 : i32
      scf.if %cond3A_176 {
        %mul3A_259 = arith.constant 80 : i32
        %mul3A_260 = arith.muli %add3A_171, %mul3A_259 : i32
        %add3A_261 = arith.constant 0 : i32
        %add3A_262 = arith.addi %mul3A_260, %add3A_261 : i32
        %get3A = arith.index_cast %add3A_262 : i32 to index
        %get3A_263 = tpu.vector_load %arg8[%get3A] {strides = array<i32>} : memref<10000xi32, #tpu.memory_space<vmem>>, vector<16xi32>,
        %get3A_264 = arith.index_cast %add3A_262 : i32 to index
        %get3A_265 = tpu.vector_load %arg9[%get3A_264] {strides = array<i32>} : memref<10000xi32, #tpu.memory_space<vmem>>, vector<16xi32>,
        %gather3A = tpu.vector_load_idx %arg7[%get3A_263] : memref<10000xi32, #tpu.memory_space<vmem>>[vector<16xi32>], vector<16xi32>,
        %gather3A_266 = tpu.vector_load_idx %arg7[%get3A_265] : memref<10000xi32, #tpu.memory_space<vmem>>[vector<16xi32>], vector<16xi32>,
        %add3A_267 = arith.addi %gather3A, %gather3A_266 : vector<16xi32>
        %add3A_268 = arith.constant 1 : i32
        %add3A_269 = vector.broadcast %add3A_268 : i32 to vector<16xi32>
        %add3A_270 = arith.addi %add3A_267, %add3A_269 : vector<16xi32>
        %mul3A_271 = arith.muli %add3A_267, %add3A_270 : vector<16xi32>
        %shift_right_arithmetic3A = arith.constant 1 : i32
        %shift_right_arithmetic3A_272 = vector.broadcast %shift_right_arithmetic3A : i32 to vector<16xi32>
        %shift_right_arithmetic3A_273 = arith.shrsi %mul3A_271, %shift_right_arithmetic3A_272 : vector<16xi32>
        %add3A_274 = arith.addi %shift_right_arithmetic3A_273, %gather3A_266 : vector<16xi32>
        %swap3A = arith.index_cast %add3A_262 : i32 to index
        %swap3A_275 = tpu.vector_load %arg10[%swap3A] {strides = array<i32>} : memref<10000xi32, #tpu.memory_space<vmem>>, vector<16xi32>,
        tpu.vector_store %arg10[%swap3A], %add3A_274 {strides = array<i32>} : memref<10000xi32, #tpu.memory_space<vmem>>, vector<16xi32>,
        %mul3A_276 = arith.constant 80 : i32
        %mul3A_277 = arith.muli %add3A_171, %mul3A_276 : i32
        %add3A_278 = arith.constant 16 : i32
        %add3A_279 = arith.addi %mul3A_277, %add3A_278 : i32
        %get3A_280 = arith.index_cast %add3A_279 : i32 to index
        %get3A_281 = tpu.vector_load %arg8[%get3A_280] {strides = array<i32>} : memref<10000xi32, #tpu.memory_space<vmem>>, vector<16xi32>,
        %get3A_282 = arith.index_cast %add3A_279 : i32 to index
        %get3A_283 = tpu.vector_load %arg9[%get3A_282] {strides = array<i32>} : memref<10000xi32, #tpu.memory_space<vmem>>, vector<16xi32>,
        %gather3A_284 = tpu.vector_load_idx %arg7[%get3A_281] : memref<10000xi32, #tpu.memory_space<vmem>>[vector<16xi32>], vector<16xi32>,
        %gather3A_285 = tpu.vector_load_idx %arg7[%get3A_283] : memref<10000xi32, #tpu.memory_space<vmem>>[vector<16xi32>], vector<16xi32>,
        %add3A_286 = arith.addi %gather3A_284, %gather3A_285 : vector<16xi32>
        %add3A_287 = arith.constant 1 : i32
        %add3A_288 = vector.broadcast %add3A_287 : i32 to vector<16xi32>
        %add3A_289 = arith.addi %add3A_286, %add3A_288 : vector<16xi32>
        %mul3A_290 = arith.muli %add3A_286, %add3A_289 : vector<16xi32>
        %shift_right_arithmetic3A_291 = arith.constant 1 : i32
        %shift_right_arithmetic3A_292 = vector.broadcast %shift_right_arithmetic3A_291 : i32 to vector<16xi32>
        %shift_right_arithmetic3A_293 = arith.shrsi %mul3A_290, %shift_right_arithmetic3A_292 : vector<16xi32>
        %add3A_294 = arith.addi %shift_right_arithmetic3A_293, %gather3A_285 : vector<16xi32>
        %swap3A_295 = arith.index_cast %add3A_279 : i32 to index
        %swap3A_296 = tpu.vector_load %arg10[%swap3A_295] {strides = array<i32>} : memref<10000xi32, #tpu.memory_space<vmem>>, vector<16xi32>,
        tpu.vector_store %arg10[%swap3A_295], %add3A_294 {strides = array<i32>} : memref<10000xi32, #tpu.memory_space<vmem>>, vector<16xi32>,
        %mul3A_297 = arith.constant 80 : i32
        %mul3A_298 = arith.muli %add3A_171, %mul3A_297 : i32
        %add3A_299 = arith.constant 32 : i32
        %add3A_300 = arith.addi %mul3A_298, %add3A_299 : i32
        %get3A_301 = arith.index_cast %add3A_300 : i32 to index
        %get3A_302 = tpu.vector_load %arg8[%get3A_301] {strides = array<i32>} : memref<10000xi32, #tpu.memory_space<vmem>>, vector<16xi32>,
        %get3A_303 = arith.index_cast %add3A_300 : i32 to index
        %get3A_304 = tpu.vector_load %arg9[%get3A_303] {strides = array<i32>} : memref<10000xi32, #tpu.memory_space<vmem>>, vector<16xi32>,
        %gather3A_305 = tpu.vector_load_idx %arg7[%get3A_302] : memref<10000xi32, #tpu.memory_space<vmem>>[vector<16xi32>], vector<16xi32>,
        %gather3A_306 = tpu.vector_load_idx %arg7[%get3A_304] : memref<10000xi32, #tpu.memory_space<vmem>>[vector<16xi32>], vector<16xi32>,
        %add3A_307 = arith.addi %gather3A_305, %gather3A_306 : vector<16xi32>
        %add3A_308 = arith.constant 1 : i32
        %add3A_309 = vector.broadcast %add3A_308 : i32 to vector<16xi32>
        %add3A_310 = arith.addi %add3A_307, %add3A_309 : vector<16xi32>
        %mul3A_311 = arith.muli %add3A_307, %add3A_310 : vector<16xi32>
        %shift_right_arithmetic3A_312 = arith.constant 1 : i32
        %shift_right_arithmetic3A_313 = vector.broadcast %shift_right_arithmetic3A_312 : i32 to vector<16xi32>
        %shift_right_arithmetic3A_314 = arith.shrsi %mul3A_311, %shift_right_arithmetic3A_313 : vector<16xi32>
        %add3A_315 = arith.addi %shift_right_arithmetic3A_314, %gather3A_306 : vector<16xi32>
        %swap3A_316 = arith.index_cast %add3A_300 : i32 to index
        %swap3A_317 = tpu.vector_load %arg10[%swap3A_316] {strides = array<i32>} : memref<10000xi32, #tpu.memory_space<vmem>>, vector<16xi32>,
        tpu.vector_store %arg10[%swap3A_316], %add3A_315 {strides = array<i32>} : memref<10000xi32, #tpu.memory_space<vmem>>, vector<16xi32>,
        %mul3A_318 = arith.constant 80 : i32
        %mul3A_319 = arith.muli %add3A_171, %mul3A_318 : i32
        %add3A_320 = arith.constant 48 : i32
        %add3A_321 = arith.addi %mul3A_319, %add3A_320 : i32
        %get3A_322 = arith.index_cast %add3A_321 : i32 to index
        %get3A_323 = tpu.vector_load %arg8[%get3A_322] {strides = array<i32>} : memref<10000xi32, #tpu.memory_space<vmem>>, vector<16xi32>,
        %get3A_324 = arith.index_cast %add3A_321 : i32 to index
        %get3A_325 = tpu.vector_load %arg9[%get3A_324] {strides = array<i32>} : memref<10000xi32, #tpu.memory_space<vmem>>, vector<16xi32>,
        %gather3A_326 = tpu.vector_load_idx %arg7[%get3A_323] : memref<10000xi32, #tpu.memory_space<vmem>>[vector<16xi32>], vector<16xi32>,
        %gather3A_327 = tpu.vector_load_idx %arg7[%get3A_325] : memref<10000xi32, #tpu.memory_space<vmem>>[vector<16xi32>], vector<16xi32>,
        %add3A_328 = arith.addi %gather3A_326, %gather3A_327 : vector<16xi32>
        %add3A_329 = arith.constant 1 : i32
        %add3A_330 = vector.broadcast %add3A_329 : i32 to vector<16xi32>
        %add3A_331 = arith.addi %add3A_328, %add3A_330 : vector<16xi32>
        %mul3A_332 = arith.muli %add3A_328, %add3A_331 : vector<16xi32>
        %shift_right_arithmetic3A_333 = arith.constant 1 : i32
        %shift_right_arithmetic3A_334 = vector.broadcast %shift_right_arithmetic3A_333 : i32 to vector<16xi32>
        %shift_right_arithmetic3A_335 = arith.shrsi %mul3A_332, %shift_right_arithmetic3A_334 : vector<16xi32>
        %add3A_336 = arith.addi %shift_right_arithmetic3A_335, %gather3A_327 : vector<16xi32>
        %swap3A_337 = arith.index_cast %add3A_321 : i32 to index
        %swap3A_338 = tpu.vector_load %arg10[%swap3A_337] {strides = array<i32>} : memref<10000xi32, #tpu.memory_space<vmem>>, vector<16xi32>,
        tpu.vector_store %arg10[%swap3A_337], %add3A_336 {strides = array<i32>} : memref<10000xi32, #tpu.memory_space<vmem>>, vector<16xi32>,
        %mul3A_339 = arith.constant 80 : i32
        %mul3A_340 = arith.muli %add3A_171, %mul3A_339 : i32
        %add3A_341 = arith.constant 64 : i32
        %add3A_342 = arith.addi %mul3A_340, %add3A_341 : i32
        %get3A_343 = arith.index_cast %add3A_342 : i32 to index
        %get3A_344 = tpu.vector_load %arg8[%get3A_343] {strides = array<i32>} : memref<10000xi32, #tpu.memory_space<vmem>>, vector<16xi32>,
        %get3A_345 = arith.index_cast %add3A_342 : i32 to index
        %get3A_346 = tpu.vector_load %arg9[%get3A_345] {strides = array<i32>} : memref<10000xi32, #tpu.memory_space<vmem>>, vector<16xi32>,
        %gather3A_347 = tpu.vector_load_idx %arg7[%get3A_344] : memref<10000xi32, #tpu.memory_space<vmem>>[vector<16xi32>], vector<16xi32>,
        %gather3A_348 = tpu.vector_load_idx %arg7[%get3A_346] : memref<10000xi32, #tpu.memory_space<vmem>>[vector<16xi32>], vector<16xi32>,
        %add3A_349 = arith.addi %gather3A_347, %gather3A_348 : vector<16xi32>
        %add3A_350 = arith.constant 1 : i32
        %add3A_351 = vector.broadcast %add3A_350 : i32 to vector<16xi32>
        %add3A_352 = arith.addi %add3A_349, %add3A_351 : vector<16xi32>
        %mul3A_353 = arith.muli %add3A_349, %add3A_352 : vector<16xi32>
        %shift_right_arithmetic3A_354 = arith.constant 1 : i32
        %shift_right_arithmetic3A_355 = vector.broadcast %shift_right_arithmetic3A_354 : i32 to vector<16xi32>
        %shift_right_arithmetic3A_356 = arith.shrsi %mul3A_353, %shift_right_arithmetic3A_355 : vector<16xi32>
        %add3A_357 = arith.addi %shift_right_arithmetic3A_356, %gather3A_348 : vector<16xi32>
        %swap3A_358 = arith.index_cast %add3A_342 : i32 to index
        %swap3A_359 = tpu.vector_load %arg10[%swap3A_358] {strides = array<i32>} : memref<10000xi32, #tpu.memory_space<vmem>>, vector<16xi32>,
        tpu.vector_store %arg10[%swap3A_358], %add3A_357 {strides = array<i32>} : memref<10000xi32, #tpu.memory_space<vmem>>, vector<16xi32>,
        %ge3A = arith.constant 6 : i32
        %ge3A_360 = arith.cmpi sge, %add3A_171, %ge3A : i32
        %convert_element_type3A_361 = arith.extui %ge3A_360 : i1 to i32
        %cond3A_362 = arith.constant 0 : i32
        %cond3A_363 = arith.cmpi ne, %convert_element_type3A_361, %cond3A_362 : i32
        scf.if %cond3A_363 {
          %dma_wait3A_378 = arith.constant 2 : i32
          %dma_wait3A_379 = arith.constant 2 : i32
          %dma_wait3A_380 = arith.constant 0 : i32
          %dma_wait3A_381 = arith.constant 0 : i32
          %dma_wait3A_382 = tpu.memref_slice %arg11[%dma_wait3A_378, %dma_wait3A_380, %dma_wait3A_381] : memref<6x80x128xf32, #tpu.memory_space<vmem>> -> memref<1x80x128xf32, #tpu.memory_space<vmem>>
          %dma_wait3A_383 = tpu.memref_squeeze %dma_wait3A_382 : memref<1x80x128xf32, #tpu.memory_space<vmem>> -> memref<80x128xf32, #tpu.memory_space<vmem>>
          %dma_wait3A_384 = arith.constant 0 : i32
          %dma_wait3A_385 = arith.constant 0 : i32
          %dma_wait3A_386 = tpu.memref_slice %arg6[%dma_wait3A_384, %dma_wait3A_385] : memref<320000x128xf32, #tpu.memory_space<hbm>> -> memref<80x128xf32, #tpu.memory_space<hbm>>
          %dma_wait3A_387 = tpu.memref_slice %arg14[%dma_wait3A_379] : memref<6x!tpu.dma_semaphore, #tpu.memory_space<semaphore_mem>> -> memref<1x!tpu.dma_semaphore, #tpu.memory_space<semaphore_mem>>
          %dma_wait3A_388 = tpu.memref_squeeze %dma_wait3A_387 : memref<1x!tpu.dma_semaphore, #tpu.memory_space<semaphore_mem>> -> memref<!tpu.dma_semaphore, #tpu.memory_space<semaphore_mem>>
          %dma_wait3A_389 = arith.constant 0 : i32
          %dma_wait3A_390 = arith.constant 0 : i32
          %dma_wait3A_391 = tpu.memref_slice %arg6[%dma_wait3A_389, %dma_wait3A_390] : memref<320000x128xf32, #tpu.memory_space<hbm>> -> memref<80x128xf32, #tpu.memory_space<hbm>>
          %dma_wait3A_392 = arith.constant 0 : i32
          %dma_wait3A_393 = arith.constant 0 : i32
          %dma_wait3A_394 = tpu.memref_slice %arg11[%dma_wait3A_378, %dma_wait3A_392, %dma_wait3A_393] : memref<6x80x128xf32, #tpu.memory_space<vmem>> -> memref<1x80x128xf32, #tpu.memory_space<vmem>>
          %dma_wait3A_395 = tpu.memref_squeeze %dma_wait3A_394 : memref<1x80x128xf32, #tpu.memory_space<vmem>> -> memref<80x128xf32, #tpu.memory_space<vmem>>
          tpu.wait_dma2 semaphore(%dma_wait3A_388 : memref<!tpu.dma_semaphore, #tpu.memory_space<semaphore_mem>>) src(%dma_wait3A_395 : memref<80x128xf32, #tpu.memory_space<vmem>>) dst(%dma_wait3A_391 : memref<80x128xf32, #tpu.memory_space<hbm>>)
        } else {
        }
        %mul3A_364 = arith.constant 80 : i32
        %mul3A_365 = arith.muli %add3A_171, %mul3A_364 : i32
        %dma_start3A_366 = arith.constant 2 : i32
        %dma_start3A_367 = arith.constant 2 : i32
        %dma_start3A_368 = arith.constant 0 : i32
        %dma_start3A_369 = arith.constant 0 : i32
        %dma_start3A_370 = tpu.memref_slice %arg11[%dma_start3A_366, %dma_start3A_368, %dma_start3A_369] : memref<6x80x128xf32, #tpu.memory_space<vmem>> -> memref<1x80x128xf32, #tpu.memory_space<vmem>>
        %dma_start3A_371 = tpu.memref_squeeze %dma_start3A_370 : memref<1x80x128xf32, #tpu.memory_space<vmem>> -> memref<80x128xf32, #tpu.memory_space<vmem>>
        %dma_start3A_372 = tpu.memref_slice %arg10[%mul3A_365] : memref<10000xi32, #tpu.memory_space<vmem>> -> memref<80xi32, #tpu.memory_space<vmem>>
        %dma_start3A_373 = arith.constant 0 : i32
        %dma_start3A_374 = arith.constant 0 : i32
        %dma_start3A_375 = tpu.memref_slice %arg12[%dma_start3A_373, %dma_start3A_374] : memref<3000x128xf32, #tpu.memory_space<vmem_shared>> -> memref<3000x128xf32, #tpu.memory_space<vmem_shared>>
        %dma_start3A_376 = tpu.memref_slice %arg13[%dma_start3A_367] : memref<6x!tpu.dma_semaphore, #tpu.memory_space<semaphore_mem>> -> memref<1x!tpu.dma_semaphore, #tpu.memory_space<semaphore_mem>>
        %dma_start3A_377 = tpu.memref_squeeze %dma_start3A_376 : memref<1x!tpu.dma_semaphore, #tpu.memory_space<semaphore_mem>> -> memref<!tpu.dma_semaphore, #tpu.memory_space<semaphore_mem>>
        tpu.enqueue_indirect_dma source(%dma_start3A_375 : memref<3000x128xf32, #tpu.memory_space<vmem_shared>>) target(%dma_start3A_371 : memref<80x128xf32, #tpu.memory_space<vmem>>) offsets(%dma_start3A_372 : memref<80xi32, #tpu.memory_space<vmem>>) semaphore(%dma_start3A_377 : memref<!tpu.dma_semaphore, #tpu.memory_space<semaphore_mem>>)
      } else {
      }
      %mul3A_177 = arith.constant 6 : i32
      %mul3A_178 = arith.muli %scan3A_148, %mul3A_177 : i32
      %add3A_179 = arith.constant 3 : i32
      %add3A_180 = arith.addi %mul3A_178, %add3A_179 : i32
      %lt3A_181 = arith.constant 125 : i32
      %lt3A_182 = arith.cmpi slt, %add3A_180, %lt3A_181 : i32
      %convert_element_type3A_183 = arith.extui %lt3A_182 : i1 to i32
      %cond3A_184 = arith.constant 0 : i32
      %cond3A_185 = arith.cmpi ne, %convert_element_type3A_183, %cond3A_184 : i32
      scf.if %cond3A_185 {
        %mul3A_259 = arith.constant 80 : i32
        %mul3A_260 = arith.muli %add3A_180, %mul3A_259 : i32
        %add3A_261 = arith.constant 0 : i32
        %add3A_262 = arith.addi %mul3A_260, %add3A_261 : i32
        %get3A = arith.index_cast %add3A_262 : i32 to index
        %get3A_263 = tpu.vector_load %arg8[%get3A] {strides = array<i32>} : memref<10000xi32, #tpu.memory_space<vmem>>, vector<16xi32>,
        %get3A_264 = arith.index_cast %add3A_262 : i32 to index
        %get3A_265 = tpu.vector_load %arg9[%get3A_264] {strides = array<i32>} : memref<10000xi32, #tpu.memory_space<vmem>>, vector<16xi32>,
        %gather3A = tpu.vector_load_idx %arg7[%get3A_263] : memref<10000xi32, #tpu.memory_space<vmem>>[vector<16xi32>], vector<16xi32>,
        %gather3A_266 = tpu.vector_load_idx %arg7[%get3A_265] : memref<10000xi32, #tpu.memory_space<vmem>>[vector<16xi32>], vector<16xi32>,
        %add3A_267 = arith.addi %gather3A, %gather3A_266 : vector<16xi32>
        %add3A_268 = arith.constant 1 : i32
        %add3A_269 = vector.broadcast %add3A_268 : i32 to vector<16xi32>
        %add3A_270 = arith.addi %add3A_267, %add3A_269 : vector<16xi32>
        %mul3A_271 = arith.muli %add3A_267, %add3A_270 : vector<16xi32>
        %shift_right_arithmetic3A = arith.constant 1 : i32
        %shift_right_arithmetic3A_272 = vector.broadcast %shift_right_arithmetic3A : i32 to vector<16xi32>
        %shift_right_arithmetic3A_273 = arith.shrsi %mul3A_271, %shift_right_arithmetic3A_272 : vector<16xi32>
        %add3A_274 = arith.addi %shift_right_arithmetic3A_273, %gather3A_266 : vector<16xi32>
        %swap3A = arith.index_cast %add3A_262 : i32 to index
        %swap3A_275 = tpu.vector_load %arg10[%swap3A] {strides = array<i32>} : memref<10000xi32, #tpu.memory_space<vmem>>, vector<16xi32>,
        tpu.vector_store %arg10[%swap3A], %add3A_274 {strides = array<i32>} : memref<10000xi32, #tpu.memory_space<vmem>>, vector<16xi32>,
        %mul3A_276 = arith.constant 80 : i32
        %mul3A_277 = arith.muli %add3A_180, %mul3A_276 : i32
        %add3A_278 = arith.constant 16 : i32
        %add3A_279 = arith.addi %mul3A_277, %add3A_278 : i32
        %get3A_280 = arith.index_cast %add3A_279 : i32 to index
        %get3A_281 = tpu.vector_load %arg8[%get3A_280] {strides = array<i32>} : memref<10000xi32, #tpu.memory_space<vmem>>, vector<16xi32>,
        %get3A_282 = arith.index_cast %add3A_279 : i32 to index
        %get3A_283 = tpu.vector_load %arg9[%get3A_282] {strides = array<i32>} : memref<10000xi32, #tpu.memory_space<vmem>>, vector<16xi32>,
        %gather3A_284 = tpu.vector_load_idx %arg7[%get3A_281] : memref<10000xi32, #tpu.memory_space<vmem>>[vector<16xi32>], vector<16xi32>,
        %gather3A_285 = tpu.vector_load_idx %arg7[%get3A_283] : memref<10000xi32, #tpu.memory_space<vmem>>[vector<16xi32>], vector<16xi32>,
        %add3A_286 = arith.addi %gather3A_284, %gather3A_285 : vector<16xi32>
        %add3A_287 = arith.constant 1 : i32
        %add3A_288 = vector.broadcast %add3A_287 : i32 to vector<16xi32>
        %add3A_289 = arith.addi %add3A_286, %add3A_288 : vector<16xi32>
        %mul3A_290 = arith.muli %add3A_286, %add3A_289 : vector<16xi32>
        %shift_right_arithmetic3A_291 = arith.constant 1 : i32
        %shift_right_arithmetic3A_292 = vector.broadcast %shift_right_arithmetic3A_291 : i32 to vector<16xi32>
        %shift_right_arithmetic3A_293 = arith.shrsi %mul3A_290, %shift_right_arithmetic3A_292 : vector<16xi32>
        %add3A_294 = arith.addi %shift_right_arithmetic3A_293, %gather3A_285 : vector<16xi32>
        %swap3A_295 = arith.index_cast %add3A_279 : i32 to index
        %swap3A_296 = tpu.vector_load %arg10[%swap3A_295] {strides = array<i32>} : memref<10000xi32, #tpu.memory_space<vmem>>, vector<16xi32>,
        tpu.vector_store %arg10[%swap3A_295], %add3A_294 {strides = array<i32>} : memref<10000xi32, #tpu.memory_space<vmem>>, vector<16xi32>,
        %mul3A_297 = arith.constant 80 : i32
        %mul3A_298 = arith.muli %add3A_180, %mul3A_297 : i32
        %add3A_299 = arith.constant 32 : i32
        %add3A_300 = arith.addi %mul3A_298, %add3A_299 : i32
        %get3A_301 = arith.index_cast %add3A_300 : i32 to index
        %get3A_302 = tpu.vector_load %arg8[%get3A_301] {strides = array<i32>} : memref<10000xi32, #tpu.memory_space<vmem>>, vector<16xi32>,
        %get3A_303 = arith.index_cast %add3A_300 : i32 to index
        %get3A_304 = tpu.vector_load %arg9[%get3A_303] {strides = array<i32>} : memref<10000xi32, #tpu.memory_space<vmem>>, vector<16xi32>,
        %gather3A_305 = tpu.vector_load_idx %arg7[%get3A_302] : memref<10000xi32, #tpu.memory_space<vmem>>[vector<16xi32>], vector<16xi32>,
        %gather3A_306 = tpu.vector_load_idx %arg7[%get3A_304] : memref<10000xi32, #tpu.memory_space<vmem>>[vector<16xi32>], vector<16xi32>,
        %add3A_307 = arith.addi %gather3A_305, %gather3A_306 : vector<16xi32>
        %add3A_308 = arith.constant 1 : i32
        %add3A_309 = vector.broadcast %add3A_308 : i32 to vector<16xi32>
        %add3A_310 = arith.addi %add3A_307, %add3A_309 : vector<16xi32>
        %mul3A_311 = arith.muli %add3A_307, %add3A_310 : vector<16xi32>
        %shift_right_arithmetic3A_312 = arith.constant 1 : i32
        %shift_right_arithmetic3A_313 = vector.broadcast %shift_right_arithmetic3A_312 : i32 to vector<16xi32>
        %shift_right_arithmetic3A_314 = arith.shrsi %mul3A_311, %shift_right_arithmetic3A_313 : vector<16xi32>
        %add3A_315 = arith.addi %shift_right_arithmetic3A_314, %gather3A_306 : vector<16xi32>
        %swap3A_316 = arith.index_cast %add3A_300 : i32 to index
        %swap3A_317 = tpu.vector_load %arg10[%swap3A_316] {strides = array<i32>} : memref<10000xi32, #tpu.memory_space<vmem>>, vector<16xi32>,
        tpu.vector_store %arg10[%swap3A_316], %add3A_315 {strides = array<i32>} : memref<10000xi32, #tpu.memory_space<vmem>>, vector<16xi32>,
        %mul3A_318 = arith.constant 80 : i32
        %mul3A_319 = arith.muli %add3A_180, %mul3A_318 : i32
        %add3A_320 = arith.constant 48 : i32
        %add3A_321 = arith.addi %mul3A_319, %add3A_320 : i32
        %get3A_322 = arith.index_cast %add3A_321 : i32 to index
        %get3A_323 = tpu.vector_load %arg8[%get3A_322] {strides = array<i32>} : memref<10000xi32, #tpu.memory_space<vmem>>, vector<16xi32>,
        %get3A_324 = arith.index_cast %add3A_321 : i32 to index
        %get3A_325 = tpu.vector_load %arg9[%get3A_324] {strides = array<i32>} : memref<10000xi32, #tpu.memory_space<vmem>>, vector<16xi32>,
        %gather3A_326 = tpu.vector_load_idx %arg7[%get3A_323] : memref<10000xi32, #tpu.memory_space<vmem>>[vector<16xi32>], vector<16xi32>,
        %gather3A_327 = tpu.vector_load_idx %arg7[%get3A_325] : memref<10000xi32, #tpu.memory_space<vmem>>[vector<16xi32>], vector<16xi32>,
        %add3A_328 = arith.addi %gather3A_326, %gather3A_327 : vector<16xi32>
        %add3A_329 = arith.constant 1 : i32
        %add3A_330 = vector.broadcast %add3A_329 : i32 to vector<16xi32>
        %add3A_331 = arith.addi %add3A_328, %add3A_330 : vector<16xi32>
        %mul3A_332 = arith.muli %add3A_328, %add3A_331 : vector<16xi32>
        %shift_right_arithmetic3A_333 = arith.constant 1 : i32
        %shift_right_arithmetic3A_334 = vector.broadcast %shift_right_arithmetic3A_333 : i32 to vector<16xi32>
        %shift_right_arithmetic3A_335 = arith.shrsi %mul3A_332, %shift_right_arithmetic3A_334 : vector<16xi32>
        %add3A_336 = arith.addi %shift_right_arithmetic3A_335, %gather3A_327 : vector<16xi32>
        %swap3A_337 = arith.index_cast %add3A_321 : i32 to index
        %swap3A_338 = tpu.vector_load %arg10[%swap3A_337] {strides = array<i32>} : memref<10000xi32, #tpu.memory_space<vmem>>, vector<16xi32>,
        tpu.vector_store %arg10[%swap3A_337], %add3A_336 {strides = array<i32>} : memref<10000xi32, #tpu.memory_space<vmem>>, vector<16xi32>,
        %mul3A_339 = arith.constant 80 : i32
        %mul3A_340 = arith.muli %add3A_180, %mul3A_339 : i32
        %add3A_341 = arith.constant 64 : i32
        %add3A_342 = arith.addi %mul3A_340, %add3A_341 : i32
        %get3A_343 = arith.index_cast %add3A_342 : i32 to index
        %get3A_344 = tpu.vector_load %arg8[%get3A_343] {strides = array<i32>} : memref<10000xi32, #tpu.memory_space<vmem>>, vector<16xi32>,
        %get3A_345 = arith.index_cast %add3A_342 : i32 to index
        %get3A_346 = tpu.vector_load %arg9[%get3A_345] {strides = array<i32>} : memref<10000xi32, #tpu.memory_space<vmem>>, vector<16xi32>,
        %gather3A_347 = tpu.vector_load_idx %arg7[%get3A_344] : memref<10000xi32, #tpu.memory_space<vmem>>[vector<16xi32>], vector<16xi32>,
        %gather3A_348 = tpu.vector_load_idx %arg7[%get3A_346] : memref<10000xi32, #tpu.memory_space<vmem>>[vector<16xi32>], vector<16xi32>,
        %add3A_349 = arith.addi %gather3A_347, %gather3A_348 : vector<16xi32>
        %add3A_350 = arith.constant 1 : i32
        %add3A_351 = vector.broadcast %add3A_350 : i32 to vector<16xi32>
        %add3A_352 = arith.addi %add3A_349, %add3A_351 : vector<16xi32>
        %mul3A_353 = arith.muli %add3A_349, %add3A_352 : vector<16xi32>
        %shift_right_arithmetic3A_354 = arith.constant 1 : i32
        %shift_right_arithmetic3A_355 = vector.broadcast %shift_right_arithmetic3A_354 : i32 to vector<16xi32>
        %shift_right_arithmetic3A_356 = arith.shrsi %mul3A_353, %shift_right_arithmetic3A_355 : vector<16xi32>
        %add3A_357 = arith.addi %shift_right_arithmetic3A_356, %gather3A_348 : vector<16xi32>
        %swap3A_358 = arith.index_cast %add3A_342 : i32 to index
        %swap3A_359 = tpu.vector_load %arg10[%swap3A_358] {strides = array<i32>} : memref<10000xi32, #tpu.memory_space<vmem>>, vector<16xi32>,
        tpu.vector_store %arg10[%swap3A_358], %add3A_357 {strides = array<i32>} : memref<10000xi32, #tpu.memory_space<vmem>>, vector<16xi32>,
        %ge3A = arith.constant 6 : i32
        %ge3A_360 = arith.cmpi sge, %add3A_180, %ge3A : i32
        %convert_element_type3A_361 = arith.extui %ge3A_360 : i1 to i32
        %cond3A_362 = arith.constant 0 : i32
        %cond3A_363 = arith.cmpi ne, %convert_element_type3A_361, %cond3A_362 : i32
        scf.if %cond3A_363 {
          %dma_wait3A_378 = arith.constant 3 : i32
          %dma_wait3A_379 = arith.constant 3 : i32
          %dma_wait3A_380 = arith.constant 0 : i32
          %dma_wait3A_381 = arith.constant 0 : i32
          %dma_wait3A_382 = tpu.memref_slice %arg11[%dma_wait3A_378, %dma_wait3A_380, %dma_wait3A_381] : memref<6x80x128xf32, #tpu.memory_space<vmem>> -> memref<1x80x128xf32, #tpu.memory_space<vmem>>
          %dma_wait3A_383 = tpu.memref_squeeze %dma_wait3A_382 : memref<1x80x128xf32, #tpu.memory_space<vmem>> -> memref<80x128xf32, #tpu.memory_space<vmem>>
          %dma_wait3A_384 = arith.constant 0 : i32
          %dma_wait3A_385 = arith.constant 0 : i32
          %dma_wait3A_386 = tpu.memref_slice %arg6[%dma_wait3A_384, %dma_wait3A_385] : memref<320000x128xf32, #tpu.memory_space<hbm>> -> memref<80x128xf32, #tpu.memory_space<hbm>>
          %dma_wait3A_387 = tpu.memref_slice %arg14[%dma_wait3A_379] : memref<6x!tpu.dma_semaphore, #tpu.memory_space<semaphore_mem>> -> memref<1x!tpu.dma_semaphore, #tpu.memory_space<semaphore_mem>>
          %dma_wait3A_388 = tpu.memref_squeeze %dma_wait3A_387 : memref<1x!tpu.dma_semaphore, #tpu.memory_space<semaphore_mem>> -> memref<!tpu.dma_semaphore, #tpu.memory_space<semaphore_mem>>
          %dma_wait3A_389 = arith.constant 0 : i32
          %dma_wait3A_390 = arith.constant 0 : i32
          %dma_wait3A_391 = tpu.memref_slice %arg6[%dma_wait3A_389, %dma_wait3A_390] : memref<320000x128xf32, #tpu.memory_space<hbm>> -> memref<80x128xf32, #tpu.memory_space<hbm>>
          %dma_wait3A_392 = arith.constant 0 : i32
          %dma_wait3A_393 = arith.constant 0 : i32
          %dma_wait3A_394 = tpu.memref_slice %arg11[%dma_wait3A_378, %dma_wait3A_392, %dma_wait3A_393] : memref<6x80x128xf32, #tpu.memory_space<vmem>> -> memref<1x80x128xf32, #tpu.memory_space<vmem>>
          %dma_wait3A_395 = tpu.memref_squeeze %dma_wait3A_394 : memref<1x80x128xf32, #tpu.memory_space<vmem>> -> memref<80x128xf32, #tpu.memory_space<vmem>>
          tpu.wait_dma2 semaphore(%dma_wait3A_388 : memref<!tpu.dma_semaphore, #tpu.memory_space<semaphore_mem>>) src(%dma_wait3A_395 : memref<80x128xf32, #tpu.memory_space<vmem>>) dst(%dma_wait3A_391 : memref<80x128xf32, #tpu.memory_space<hbm>>)
        } else {
        }
        %mul3A_364 = arith.constant 80 : i32
        %mul3A_365 = arith.muli %add3A_180, %mul3A_364 : i32
        %dma_start3A_366 = arith.constant 3 : i32
        %dma_start3A_367 = arith.constant 3 : i32
        %dma_start3A_368 = arith.constant 0 : i32
        %dma_start3A_369 = arith.constant 0 : i32
        %dma_start3A_370 = tpu.memref_slice %arg11[%dma_start3A_366, %dma_start3A_368, %dma_start3A_369] : memref<6x80x128xf32, #tpu.memory_space<vmem>> -> memref<1x80x128xf32, #tpu.memory_space<vmem>>
        %dma_start3A_371 = tpu.memref_squeeze %dma_start3A_370 : memref<1x80x128xf32, #tpu.memory_space<vmem>> -> memref<80x128xf32, #tpu.memory_space<vmem>>
        %dma_start3A_372 = tpu.memref_slice %arg10[%mul3A_365] : memref<10000xi32, #tpu.memory_space<vmem>> -> memref<80xi32, #tpu.memory_space<vmem>>
        %dma_start3A_373 = arith.constant 0 : i32
        %dma_start3A_374 = arith.constant 0 : i32
        %dma_start3A_375 = tpu.memref_slice %arg12[%dma_start3A_373, %dma_start3A_374] : memref<3000x128xf32, #tpu.memory_space<vmem_shared>> -> memref<3000x128xf32, #tpu.memory_space<vmem_shared>>
        %dma_start3A_376 = tpu.memref_slice %arg13[%dma_start3A_367] : memref<6x!tpu.dma_semaphore, #tpu.memory_space<semaphore_mem>> -> memref<1x!tpu.dma_semaphore, #tpu.memory_space<semaphore_mem>>
        %dma_start3A_377 = tpu.memref_squeeze %dma_start3A_376 : memref<1x!tpu.dma_semaphore, #tpu.memory_space<semaphore_mem>> -> memref<!tpu.dma_semaphore, #tpu.memory_space<semaphore_mem>>
        tpu.enqueue_indirect_dma source(%dma_start3A_375 : memref<3000x128xf32, #tpu.memory_space<vmem_shared>>) target(%dma_start3A_371 : memref<80x128xf32, #tpu.memory_space<vmem>>) offsets(%dma_start3A_372 : memref<80xi32, #tpu.memory_space<vmem>>) semaphore(%dma_start3A_377 : memref<!tpu.dma_semaphore, #tpu.memory_space<semaphore_mem>>)
      } else {
      }
      %mul3A_186 = arith.constant 6 : i32
      %mul3A_187 = arith.muli %scan3A_148, %mul3A_186 : i32
      %add3A_188 = arith.constant 4 : i32
      %add3A_189 = arith.addi %mul3A_187, %add3A_188 : i32
      %lt3A_190 = arith.constant 125 : i32
      %lt3A_191 = arith.cmpi slt, %add3A_189, %lt3A_190 : i32
      %convert_element_type3A_192 = arith.extui %lt3A_191 : i1 to i32
      %cond3A_193 = arith.constant 0 : i32
      %cond3A_194 = arith.cmpi ne, %convert_element_type3A_192, %cond3A_193 : i32
      scf.if %cond3A_194 {
        %mul3A_259 = arith.constant 80 : i32
        %mul3A_260 = arith.muli %add3A_189, %mul3A_259 : i32
        %add3A_261 = arith.constant 0 : i32
        %add3A_262 = arith.addi %mul3A_260, %add3A_261 : i32
        %get3A = arith.index_cast %add3A_262 : i32 to index
        %get3A_263 = tpu.vector_load %arg8[%get3A] {strides = array<i32>} : memref<10000xi32, #tpu.memory_space<vmem>>, vector<16xi32>,
        %get3A_264 = arith.index_cast %add3A_262 : i32 to index
        %get3A_265 = tpu.vector_load %arg9[%get3A_264] {strides = array<i32>} : memref<10000xi32, #tpu.memory_space<vmem>>, vector<16xi32>,
        %gather3A = tpu.vector_load_idx %arg7[%get3A_263] : memref<10000xi32, #tpu.memory_space<vmem>>[vector<16xi32>], vector<16xi32>,
        %gather3A_266 = tpu.vector_load_idx %arg7[%get3A_265] : memref<10000xi32, #tpu.memory_space<vmem>>[vector<16xi32>], vector<16xi32>,
        %add3A_267 = arith.addi %gather3A, %gather3A_266 : vector<16xi32>
        %add3A_268 = arith.constant 1 : i32
        %add3A_269 = vector.broadcast %add3A_268 : i32 to vector<16xi32>
        %add3A_270 = arith.addi %add3A_267, %add3A_269 : vector<16xi32>
        %mul3A_271 = arith.muli %add3A_267, %add3A_270 : vector<16xi32>
        %shift_right_arithmetic3A = arith.constant 1 : i32
        %shift_right_arithmetic3A_272 = vector.broadcast %shift_right_arithmetic3A : i32 to vector<16xi32>
        %shift_right_arithmetic3A_273 = arith.shrsi %mul3A_271, %shift_right_arithmetic3A_272 : vector<16xi32>
        %add3A_274 = arith.addi %shift_right_arithmetic3A_273, %gather3A_266 : vector<16xi32>
        %swap3A = arith.index_cast %add3A_262 : i32 to index
        %swap3A_275 = tpu.vector_load %arg10[%swap3A] {strides = array<i32>} : memref<10000xi32, #tpu.memory_space<vmem>>, vector<16xi32>,
        tpu.vector_store %arg10[%swap3A], %add3A_274 {strides = array<i32>} : memref<10000xi32, #tpu.memory_space<vmem>>, vector<16xi32>,
        %mul3A_276 = arith.constant 80 : i32
        %mul3A_277 = arith.muli %add3A_189, %mul3A_276 : i32
        %add3A_278 = arith.constant 16 : i32
        %add3A_279 = arith.addi %mul3A_277, %add3A_278 : i32
        %get3A_280 = arith.index_cast %add3A_279 : i32 to index
        %get3A_281 = tpu.vector_load %arg8[%get3A_280] {strides = array<i32>} : memref<10000xi32, #tpu.memory_space<vmem>>, vector<16xi32>,
        %get3A_282 = arith.index_cast %add3A_279 : i32 to index
        %get3A_283 = tpu.vector_load %arg9[%get3A_282] {strides = array<i32>} : memref<10000xi32, #tpu.memory_space<vmem>>, vector<16xi32>,
        %gather3A_284 = tpu.vector_load_idx %arg7[%get3A_281] : memref<10000xi32, #tpu.memory_space<vmem>>[vector<16xi32>], vector<16xi32>,
        %gather3A_285 = tpu.vector_load_idx %arg7[%get3A_283] : memref<10000xi32, #tpu.memory_space<vmem>>[vector<16xi32>], vector<16xi32>,
        %add3A_286 = arith.addi %gather3A_284, %gather3A_285 : vector<16xi32>
        %add3A_287 = arith.constant 1 : i32
        %add3A_288 = vector.broadcast %add3A_287 : i32 to vector<16xi32>
        %add3A_289 = arith.addi %add3A_286, %add3A_288 : vector<16xi32>
        %mul3A_290 = arith.muli %add3A_286, %add3A_289 : vector<16xi32>
        %shift_right_arithmetic3A_291 = arith.constant 1 : i32
        %shift_right_arithmetic3A_292 = vector.broadcast %shift_right_arithmetic3A_291 : i32 to vector<16xi32>
        %shift_right_arithmetic3A_293 = arith.shrsi %mul3A_290, %shift_right_arithmetic3A_292 : vector<16xi32>
        %add3A_294 = arith.addi %shift_right_arithmetic3A_293, %gather3A_285 : vector<16xi32>
        %swap3A_295 = arith.index_cast %add3A_279 : i32 to index
        %swap3A_296 = tpu.vector_load %arg10[%swap3A_295] {strides = array<i32>} : memref<10000xi32, #tpu.memory_space<vmem>>, vector<16xi32>,
        tpu.vector_store %arg10[%swap3A_295], %add3A_294 {strides = array<i32>} : memref<10000xi32, #tpu.memory_space<vmem>>, vector<16xi32>,
        %mul3A_297 = arith.constant 80 : i32
        %mul3A_298 = arith.muli %add3A_189, %mul3A_297 : i32
        %add3A_299 = arith.constant 32 : i32
        %add3A_300 = arith.addi %mul3A_298, %add3A_299 : i32
        %get3A_301 = arith.index_cast %add3A_300 : i32 to index
        %get3A_302 = tpu.vector_load %arg8[%get3A_301] {strides = array<i32>} : memref<10000xi32, #tpu.memory_space<vmem>>, vector<16xi32>,
        %get3A_303 = arith.index_cast %add3A_300 : i32 to index
        %get3A_304 = tpu.vector_load %arg9[%get3A_303] {strides = array<i32>} : memref<10000xi32, #tpu.memory_space<vmem>>, vector<16xi32>,
        %gather3A_305 = tpu.vector_load_idx %arg7[%get3A_302] : memref<10000xi32, #tpu.memory_space<vmem>>[vector<16xi32>], vector<16xi32>,
        %gather3A_306 = tpu.vector_load_idx %arg7[%get3A_304] : memref<10000xi32, #tpu.memory_space<vmem>>[vector<16xi32>], vector<16xi32>,
        %add3A_307 = arith.addi %gather3A_305, %gather3A_306 : vector<16xi32>
        %add3A_308 = arith.constant 1 : i32
        %add3A_309 = vector.broadcast %add3A_308 : i32 to vector<16xi32>
        %add3A_310 = arith.addi %add3A_307, %add3A_309 : vector<16xi32>
        %mul3A_311 = arith.muli %add3A_307, %add3A_310 : vector<16xi32>
        %shift_right_arithmetic3A_312 = arith.constant 1 : i32
        %shift_right_arithmetic3A_313 = vector.broadcast %shift_right_arithmetic3A_312 : i32 to vector<16xi32>
        %shift_right_arithmetic3A_314 = arith.shrsi %mul3A_311, %shift_right_arithmetic3A_313 : vector<16xi32>
        %add3A_315 = arith.addi %shift_right_arithmetic3A_314, %gather3A_306 : vector<16xi32>
        %swap3A_316 = arith.index_cast %add3A_300 : i32 to index
        %swap3A_317 = tpu.vector_load %arg10[%swap3A_316] {strides = array<i32>} : memref<10000xi32, #tpu.memory_space<vmem>>, vector<16xi32>,
        tpu.vector_store %arg10[%swap3A_316], %add3A_315 {strides = array<i32>} : memref<10000xi32, #tpu.memory_space<vmem>>, vector<16xi32>,
        %mul3A_318 = arith.constant 80 : i32
        %mul3A_319 = arith.muli %add3A_189, %mul3A_318 : i32
        %add3A_320 = arith.constant 48 : i32
        %add3A_321 = arith.addi %mul3A_319, %add3A_320 : i32
        %get3A_322 = arith.index_cast %add3A_321 : i32 to index
        %get3A_323 = tpu.vector_load %arg8[%get3A_322] {strides = array<i32>} : memref<10000xi32, #tpu.memory_space<vmem>>, vector<16xi32>,
        %get3A_324 = arith.index_cast %add3A_321 : i32 to index
        %get3A_325 = tpu.vector_load %arg9[%get3A_324] {strides = array<i32>} : memref<10000xi32, #tpu.memory_space<vmem>>, vector<16xi32>,
        %gather3A_326 = tpu.vector_load_idx %arg7[%get3A_323] : memref<10000xi32, #tpu.memory_space<vmem>>[vector<16xi32>], vector<16xi32>,
        %gather3A_327 = tpu.vector_load_idx %arg7[%get3A_325] : memref<10000xi32, #tpu.memory_space<vmem>>[vector<16xi32>], vector<16xi32>,
        %add3A_328 = arith.addi %gather3A_326, %gather3A_327 : vector<16xi32>
        %add3A_329 = arith.constant 1 : i32
        %add3A_330 = vector.broadcast %add3A_329 : i32 to vector<16xi32>
        %add3A_331 = arith.addi %add3A_328, %add3A_330 : vector<16xi32>
        %mul3A_332 = arith.muli %add3A_328, %add3A_331 : vector<16xi32>
        %shift_right_arithmetic3A_333 = arith.constant 1 : i32
        %shift_right_arithmetic3A_334 = vector.broadcast %shift_right_arithmetic3A_333 : i32 to vector<16xi32>
        %shift_right_arithmetic3A_335 = arith.shrsi %mul3A_332, %shift_right_arithmetic3A_334 : vector<16xi32>
        %add3A_336 = arith.addi %shift_right_arithmetic3A_335, %gather3A_327 : vector<16xi32>
        %swap3A_337 = arith.index_cast %add3A_321 : i32 to index
        %swap3A_338 = tpu.vector_load %arg10[%swap3A_337] {strides = array<i32>} : memref<10000xi32, #tpu.memory_space<vmem>>, vector<16xi32>,
        tpu.vector_store %arg10[%swap3A_337], %add3A_336 {strides = array<i32>} : memref<10000xi32, #tpu.memory_space<vmem>>, vector<16xi32>,
        %mul3A_339 = arith.constant 80 : i32
        %mul3A_340 = arith.muli %add3A_189, %mul3A_339 : i32
        %add3A_341 = arith.constant 64 : i32
        %add3A_342 = arith.addi %mul3A_340, %add3A_341 : i32
        %get3A_343 = arith.index_cast %add3A_342 : i32 to index
        %get3A_344 = tpu.vector_load %arg8[%get3A_343] {strides = array<i32>} : memref<10000xi32, #tpu.memory_space<vmem>>, vector<16xi32>,
        %get3A_345 = arith.index_cast %add3A_342 : i32 to index
        %get3A_346 = tpu.vector_load %arg9[%get3A_345] {strides = array<i32>} : memref<10000xi32, #tpu.memory_space<vmem>>, vector<16xi32>,
        %gather3A_347 = tpu.vector_load_idx %arg7[%get3A_344] : memref<10000xi32, #tpu.memory_space<vmem>>[vector<16xi32>], vector<16xi32>,
        %gather3A_348 = tpu.vector_load_idx %arg7[%get3A_346] : memref<10000xi32, #tpu.memory_space<vmem>>[vector<16xi32>], vector<16xi32>,
        %add3A_349 = arith.addi %gather3A_347, %gather3A_348 : vector<16xi32>
        %add3A_350 = arith.constant 1 : i32
        %add3A_351 = vector.broadcast %add3A_350 : i32 to vector<16xi32>
        %add3A_352 = arith.addi %add3A_349, %add3A_351 : vector<16xi32>
        %mul3A_353 = arith.muli %add3A_349, %add3A_352 : vector<16xi32>
        %shift_right_arithmetic3A_354 = arith.constant 1 : i32
        %shift_right_arithmetic3A_355 = vector.broadcast %shift_right_arithmetic3A_354 : i32 to vector<16xi32>
        %shift_right_arithmetic3A_356 = arith.shrsi %mul3A_353, %shift_right_arithmetic3A_355 : vector<16xi32>
        %add3A_357 = arith.addi %shift_right_arithmetic3A_356, %gather3A_348 : vector<16xi32>
        %swap3A_358 = arith.index_cast %add3A_342 : i32 to index
        %swap3A_359 = tpu.vector_load %arg10[%swap3A_358] {strides = array<i32>} : memref<10000xi32, #tpu.memory_space<vmem>>, vector<16xi32>,
        tpu.vector_store %arg10[%swap3A_358], %add3A_357 {strides = array<i32>} : memref<10000xi32, #tpu.memory_space<vmem>>, vector<16xi32>,
        %ge3A = arith.constant 6 : i32
        %ge3A_360 = arith.cmpi sge, %add3A_189, %ge3A : i32
        %convert_element_type3A_361 = arith.extui %ge3A_360 : i1 to i32
        %cond3A_362 = arith.constant 0 : i32
        %cond3A_363 = arith.cmpi ne, %convert_element_type3A_361, %cond3A_362 : i32
        scf.if %cond3A_363 {
          %dma_wait3A_378 = arith.constant 4 : i32
          %dma_wait3A_379 = arith.constant 4 : i32
          %dma_wait3A_380 = arith.constant 0 : i32
          %dma_wait3A_381 = arith.constant 0 : i32
          %dma_wait3A_382 = tpu.memref_slice %arg11[%dma_wait3A_378, %dma_wait3A_380, %dma_wait3A_381] : memref<6x80x128xf32, #tpu.memory_space<vmem>> -> memref<1x80x128xf32, #tpu.memory_space<vmem>>
          %dma_wait3A_383 = tpu.memref_squeeze %dma_wait3A_382 : memref<1x80x128xf32, #tpu.memory_space<vmem>> -> memref<80x128xf32, #tpu.memory_space<vmem>>
          %dma_wait3A_384 = arith.constant 0 : i32
          %dma_wait3A_385 = arith.constant 0 : i32
          %dma_wait3A_386 = tpu.memref_slice %arg6[%dma_wait3A_384, %dma_wait3A_385] : memref<320000x128xf32, #tpu.memory_space<hbm>> -> memref<80x128xf32, #tpu.memory_space<hbm>>
          %dma_wait3A_387 = tpu.memref_slice %arg14[%dma_wait3A_379] : memref<6x!tpu.dma_semaphore, #tpu.memory_space<semaphore_mem>> -> memref<1x!tpu.dma_semaphore, #tpu.memory_space<semaphore_mem>>
          %dma_wait3A_388 = tpu.memref_squeeze %dma_wait3A_387 : memref<1x!tpu.dma_semaphore, #tpu.memory_space<semaphore_mem>> -> memref<!tpu.dma_semaphore, #tpu.memory_space<semaphore_mem>>
          %dma_wait3A_389 = arith.constant 0 : i32
          %dma_wait3A_390 = arith.constant 0 : i32
          %dma_wait3A_391 = tpu.memref_slice %arg6[%dma_wait3A_389, %dma_wait3A_390] : memref<320000x128xf32, #tpu.memory_space<hbm>> -> memref<80x128xf32, #tpu.memory_space<hbm>>
          %dma_wait3A_392 = arith.constant 0 : i32
          %dma_wait3A_393 = arith.constant 0 : i32
          %dma_wait3A_394 = tpu.memref_slice %arg11[%dma_wait3A_378, %dma_wait3A_392, %dma_wait3A_393] : memref<6x80x128xf32, #tpu.memory_space<vmem>> -> memref<1x80x128xf32, #tpu.memory_space<vmem>>
          %dma_wait3A_395 = tpu.memref_squeeze %dma_wait3A_394 : memref<1x80x128xf32, #tpu.memory_space<vmem>> -> memref<80x128xf32, #tpu.memory_space<vmem>>
          tpu.wait_dma2 semaphore(%dma_wait3A_388 : memref<!tpu.dma_semaphore, #tpu.memory_space<semaphore_mem>>) src(%dma_wait3A_395 : memref<80x128xf32, #tpu.memory_space<vmem>>) dst(%dma_wait3A_391 : memref<80x128xf32, #tpu.memory_space<hbm>>)
        } else {
        }
        %mul3A_364 = arith.constant 80 : i32
        %mul3A_365 = arith.muli %add3A_189, %mul3A_364 : i32
        %dma_start3A_366 = arith.constant 4 : i32
        %dma_start3A_367 = arith.constant 4 : i32
        %dma_start3A_368 = arith.constant 0 : i32
        %dma_start3A_369 = arith.constant 0 : i32
        %dma_start3A_370 = tpu.memref_slice %arg11[%dma_start3A_366, %dma_start3A_368, %dma_start3A_369] : memref<6x80x128xf32, #tpu.memory_space<vmem>> -> memref<1x80x128xf32, #tpu.memory_space<vmem>>
        %dma_start3A_371 = tpu.memref_squeeze %dma_start3A_370 : memref<1x80x128xf32, #tpu.memory_space<vmem>> -> memref<80x128xf32, #tpu.memory_space<vmem>>
        %dma_start3A_372 = tpu.memref_slice %arg10[%mul3A_365] : memref<10000xi32, #tpu.memory_space<vmem>> -> memref<80xi32, #tpu.memory_space<vmem>>
        %dma_start3A_373 = arith.constant 0 : i32
        %dma_start3A_374 = arith.constant 0 : i32
        %dma_start3A_375 = tpu.memref_slice %arg12[%dma_start3A_373, %dma_start3A_374] : memref<3000x128xf32, #tpu.memory_space<vmem_shared>> -> memref<3000x128xf32, #tpu.memory_space<vmem_shared>>
        %dma_start3A_376 = tpu.memref_slice %arg13[%dma_start3A_367] : memref<6x!tpu.dma_semaphore, #tpu.memory_space<semaphore_mem>> -> memref<1x!tpu.dma_semaphore, #tpu.memory_space<semaphore_mem>>
        %dma_start3A_377 = tpu.memref_squeeze %dma_start3A_376 : memref<1x!tpu.dma_semaphore, #tpu.memory_space<semaphore_mem>> -> memref<!tpu.dma_semaphore, #tpu.memory_space<semaphore_mem>>
        tpu.enqueue_indirect_dma source(%dma_start3A_375 : memref<3000x128xf32, #tpu.memory_space<vmem_shared>>) target(%dma_start3A_371 : memref<80x128xf32, #tpu.memory_space<vmem>>) offsets(%dma_start3A_372 : memref<80xi32, #tpu.memory_space<vmem>>) semaphore(%dma_start3A_377 : memref<!tpu.dma_semaphore, #tpu.memory_space<semaphore_mem>>)
      } else {
      }
      %mul3A_195 = arith.constant 6 : i32
      %mul3A_196 = arith.muli %scan3A_148, %mul3A_195 : i32
      %add3A_197 = arith.constant 5 : i32
      %add3A_198 = arith.addi %mul3A_196, %add3A_197 : i32
      %lt3A_199 = arith.constant 125 : i32
      %lt3A_200 = arith.cmpi slt, %add3A_198, %lt3A_199 : i32
      %convert_element_type3A_201 = arith.extui %lt3A_200 : i1 to i32
      %cond3A_202 = arith.constant 0 : i32
      %cond3A_203 = arith.cmpi ne, %convert_element_type3A_201, %cond3A_202 : i32
      scf.if %cond3A_203 {
        %mul3A_259 = arith.constant 80 : i32
        %mul3A_260 = arith.muli %add3A_198, %mul3A_259 : i32
        %add3A_261 = arith.constant 0 : i32
        %add3A_262 = arith.addi %mul3A_260, %add3A_261 : i32
        %get3A = arith.index_cast %add3A_262 : i32 to index
        %get3A_263 = tpu.vector_load %arg8[%get3A] {strides = array<i32>} : memref<10000xi32, #tpu.memory_space<vmem>>, vector<16xi32>,
        %get3A_264 = arith.index_cast %add3A_262 : i32 to index
        %get3A_265 = tpu.vector_load %arg9[%get3A_264] {strides = array<i32>} : memref<10000xi32, #tpu.memory_space<vmem>>, vector<16xi32>,
        %gather3A = tpu.vector_load_idx %arg7[%get3A_263] : memref<10000xi32, #tpu.memory_space<vmem>>[vector<16xi32>], vector<16xi32>,
        %gather3A_266 = tpu.vector_load_idx %arg7[%get3A_265] : memref<10000xi32, #tpu.memory_space<vmem>>[vector<16xi32>], vector<16xi32>,
        %add3A_267 = arith.addi %gather3A, %gather3A_266 : vector<16xi32>
        %add3A_268 = arith.constant 1 : i32
        %add3A_269 = vector.broadcast %add3A_268 : i32 to vector<16xi32>
        %add3A_270 = arith.addi %add3A_267, %add3A_269 : vector<16xi32>
        %mul3A_271 = arith.muli %add3A_267, %add3A_270 : vector<16xi32>
        %shift_right_arithmetic3A = arith.constant 1 : i32
        %shift_right_arithmetic3A_272 = vector.broadcast %shift_right_arithmetic3A : i32 to vector<16xi32>
        %shift_right_arithmetic3A_273 = arith.shrsi %mul3A_271, %shift_right_arithmetic3A_272 : vector<16xi32>
        %add3A_274 = arith.addi %shift_right_arithmetic3A_273, %gather3A_266 : vector<16xi32>
        %swap3A = arith.index_cast %add3A_262 : i32 to index
        %swap3A_275 = tpu.vector_load %arg10[%swap3A] {strides = array<i32>} : memref<10000xi32, #tpu.memory_space<vmem>>, vector<16xi32>,
        tpu.vector_store %arg10[%swap3A], %add3A_274 {strides = array<i32>} : memref<10000xi32, #tpu.memory_space<vmem>>, vector<16xi32>,
        %mul3A_276 = arith.constant 80 : i32
        %mul3A_277 = arith.muli %add3A_198, %mul3A_276 : i32
        %add3A_278 = arith.constant 16 : i32
        %add3A_279 = arith.addi %mul3A_277, %add3A_278 : i32
        %get3A_280 = arith.index_cast %add3A_279 : i32 to index
        %get3A_281 = tpu.vector_load %arg8[%get3A_280] {strides = array<i32>} : memref<10000xi32, #tpu.memory_space<vmem>>, vector<16xi32>,
        %get3A_282 = arith.index_cast %add3A_279 : i32 to index
        %get3A_283 = tpu.vector_load %arg9[%get3A_282] {strides = array<i32>} : memref<10000xi32, #tpu.memory_space<vmem>>, vector<16xi32>,
        %gather3A_284 = tpu.vector_load_idx %arg7[%get3A_281] : memref<10000xi32, #tpu.memory_space<vmem>>[vector<16xi32>], vector<16xi32>,
        %gather3A_285 = tpu.vector_load_idx %arg7[%get3A_283] : memref<10000xi32, #tpu.memory_space<vmem>>[vector<16xi32>], vector<16xi32>,
        %add3A_286 = arith.addi %gather3A_284, %gather3A_285 : vector<16xi32>
        %add3A_287 = arith.constant 1 : i32
        %add3A_288 = vector.broadcast %add3A_287 : i32 to vector<16xi32>
        %add3A_289 = arith.addi %add3A_286, %add3A_288 : vector<16xi32>
        %mul3A_290 = arith.muli %add3A_286, %add3A_289 : vector<16xi32>
        %shift_right_arithmetic3A_291 = arith.constant 1 : i32
        %shift_right_arithmetic3A_292 = vector.broadcast %shift_right_arithmetic3A_291 : i32 to vector<16xi32>
        %shift_right_arithmetic3A_293 = arith.shrsi %mul3A_290, %shift_right_arithmetic3A_292 : vector<16xi32>
        %add3A_294 = arith.addi %shift_right_arithmetic3A_293, %gather3A_285 : vector<16xi32>
        %swap3A_295 = arith.index_cast %add3A_279 : i32 to index
        %swap3A_296 = tpu.vector_load %arg10[%swap3A_295] {strides = array<i32>} : memref<10000xi32, #tpu.memory_space<vmem>>, vector<16xi32>,
        tpu.vector_store %arg10[%swap3A_295], %add3A_294 {strides = array<i32>} : memref<10000xi32, #tpu.memory_space<vmem>>, vector<16xi32>,
        %mul3A_297 = arith.constant 80 : i32
        %mul3A_298 = arith.muli %add3A_198, %mul3A_297 : i32
        %add3A_299 = arith.constant 32 : i32
        %add3A_300 = arith.addi %mul3A_298, %add3A_299 : i32
        %get3A_301 = arith.index_cast %add3A_300 : i32 to index
        %get3A_302 = tpu.vector_load %arg8[%get3A_301] {strides = array<i32>} : memref<10000xi32, #tpu.memory_space<vmem>>, vector<16xi32>,
        %get3A_303 = arith.index_cast %add3A_300 : i32 to index
        %get3A_304 = tpu.vector_load %arg9[%get3A_303] {strides = array<i32>} : memref<10000xi32, #tpu.memory_space<vmem>>, vector<16xi32>,
        %gather3A_305 = tpu.vector_load_idx %arg7[%get3A_302] : memref<10000xi32, #tpu.memory_space<vmem>>[vector<16xi32>], vector<16xi32>,
        %gather3A_306 = tpu.vector_load_idx %arg7[%get3A_304] : memref<10000xi32, #tpu.memory_space<vmem>>[vector<16xi32>], vector<16xi32>,
        %add3A_307 = arith.addi %gather3A_305, %gather3A_306 : vector<16xi32>
        %add3A_308 = arith.constant 1 : i32
        %add3A_309 = vector.broadcast %add3A_308 : i32 to vector<16xi32>
        %add3A_310 = arith.addi %add3A_307, %add3A_309 : vector<16xi32>
        %mul3A_311 = arith.muli %add3A_307, %add3A_310 : vector<16xi32>
        %shift_right_arithmetic3A_312 = arith.constant 1 : i32
        %shift_right_arithmetic3A_313 = vector.broadcast %shift_right_arithmetic3A_312 : i32 to vector<16xi32>
        %shift_right_arithmetic3A_314 = arith.shrsi %mul3A_311, %shift_right_arithmetic3A_313 : vector<16xi32>
        %add3A_315 = arith.addi %shift_right_arithmetic3A_314, %gather3A_306 : vector<16xi32>
        %swap3A_316 = arith.index_cast %add3A_300 : i32 to index
        %swap3A_317 = tpu.vector_load %arg10[%swap3A_316] {strides = array<i32>} : memref<10000xi32, #tpu.memory_space<vmem>>, vector<16xi32>,
        tpu.vector_store %arg10[%swap3A_316], %add3A_315 {strides = array<i32>} : memref<10000xi32, #tpu.memory_space<vmem>>, vector<16xi32>,
        %mul3A_318 = arith.constant 80 : i32
        %mul3A_319 = arith.muli %add3A_198, %mul3A_318 : i32
        %add3A_320 = arith.constant 48 : i32
        %add3A_321 = arith.addi %mul3A_319, %add3A_320 : i32
        %get3A_322 = arith.index_cast %add3A_321 : i32 to index
        %get3A_323 = tpu.vector_load %arg8[%get3A_322] {strides = array<i32>} : memref<10000xi32, #tpu.memory_space<vmem>>, vector<16xi32>,
        %get3A_324 = arith.index_cast %add3A_321 : i32 to index
        %get3A_325 = tpu.vector_load %arg9[%get3A_324] {strides = array<i32>} : memref<10000xi32, #tpu.memory_space<vmem>>, vector<16xi32>,
        %gather3A_326 = tpu.vector_load_idx %arg7[%get3A_323] : memref<10000xi32, #tpu.memory_space<vmem>>[vector<16xi32>], vector<16xi32>,
        %gather3A_327 = tpu.vector_load_idx %arg7[%get3A_325] : memref<10000xi32, #tpu.memory_space<vmem>>[vector<16xi32>], vector<16xi32>,
        %add3A_328 = arith.addi %gather3A_326, %gather3A_327 : vector<16xi32>
        %add3A_329 = arith.constant 1 : i32
        %add3A_330 = vector.broadcast %add3A_329 : i32 to vector<16xi32>
        %add3A_331 = arith.addi %add3A_328, %add3A_330 : vector<16xi32>
        %mul3A_332 = arith.muli %add3A_328, %add3A_331 : vector<16xi32>
        %shift_right_arithmetic3A_333 = arith.constant 1 : i32
        %shift_right_arithmetic3A_334 = vector.broadcast %shift_right_arithmetic3A_333 : i32 to vector<16xi32>
        %shift_right_arithmetic3A_335 = arith.shrsi %mul3A_332, %shift_right_arithmetic3A_334 : vector<16xi32>
        %add3A_336 = arith.addi %shift_right_arithmetic3A_335, %gather3A_327 : vector<16xi32>
        %swap3A_337 = arith.index_cast %add3A_321 : i32 to index
        %swap3A_338 = tpu.vector_load %arg10[%swap3A_337] {strides = array<i32>} : memref<10000xi32, #tpu.memory_space<vmem>>, vector<16xi32>,
        tpu.vector_store %arg10[%swap3A_337], %add3A_336 {strides = array<i32>} : memref<10000xi32, #tpu.memory_space<vmem>>, vector<16xi32>,
        %mul3A_339 = arith.constant 80 : i32
        %mul3A_340 = arith.muli %add3A_198, %mul3A_339 : i32
        %add3A_341 = arith.constant 64 : i32
        %add3A_342 = arith.addi %mul3A_340, %add3A_341 : i32
        %get3A_343 = arith.index_cast %add3A_342 : i32 to index
        %get3A_344 = tpu.vector_load %arg8[%get3A_343] {strides = array<i32>} : memref<10000xi32, #tpu.memory_space<vmem>>, vector<16xi32>,
        %get3A_345 = arith.index_cast %add3A_342 : i32 to index
        %get3A_346 = tpu.vector_load %arg9[%get3A_345] {strides = array<i32>} : memref<10000xi32, #tpu.memory_space<vmem>>, vector<16xi32>,
        %gather3A_347 = tpu.vector_load_idx %arg7[%get3A_344] : memref<10000xi32, #tpu.memory_space<vmem>>[vector<16xi32>], vector<16xi32>,
        %gather3A_348 = tpu.vector_load_idx %arg7[%get3A_346] : memref<10000xi32, #tpu.memory_space<vmem>>[vector<16xi32>], vector<16xi32>,
        %add3A_349 = arith.addi %gather3A_347, %gather3A_348 : vector<16xi32>
        %add3A_350 = arith.constant 1 : i32
        %add3A_351 = vector.broadcast %add3A_350 : i32 to vector<16xi32>
        %add3A_352 = arith.addi %add3A_349, %add3A_351 : vector<16xi32>
        %mul3A_353 = arith.muli %add3A_349, %add3A_352 : vector<16xi32>
        %shift_right_arithmetic3A_354 = arith.constant 1 : i32
        %shift_right_arithmetic3A_355 = vector.broadcast %shift_right_arithmetic3A_354 : i32 to vector<16xi32>
        %shift_right_arithmetic3A_356 = arith.shrsi %mul3A_353, %shift_right_arithmetic3A_355 : vector<16xi32>
        %add3A_357 = arith.addi %shift_right_arithmetic3A_356, %gather3A_348 : vector<16xi32>
        %swap3A_358 = arith.index_cast %add3A_342 : i32 to index
        %swap3A_359 = tpu.vector_load %arg10[%swap3A_358] {strides = array<i32>} : memref<10000xi32, #tpu.memory_space<vmem>>, vector<16xi32>,
        tpu.vector_store %arg10[%swap3A_358], %add3A_357 {strides = array<i32>} : memref<10000xi32, #tpu.memory_space<vmem>>, vector<16xi32>,
        %ge3A = arith.constant 6 : i32
        %ge3A_360 = arith.cmpi sge, %add3A_198, %ge3A : i32
        %convert_element_type3A_361 = arith.extui %ge3A_360 : i1 to i32
        %cond3A_362 = arith.constant 0 : i32
        %cond3A_363 = arith.cmpi ne, %convert_element_type3A_361, %cond3A_362 : i32
        scf.if %cond3A_363 {
          %dma_wait3A_378 = arith.constant 5 : i32
          %dma_wait3A_379 = arith.constant 5 : i32
          %dma_wait3A_380 = arith.constant 0 : i32
          %dma_wait3A_381 = arith.constant 0 : i32
          %dma_wait3A_382 = tpu.memref_slice %arg11[%dma_wait3A_378, %dma_wait3A_380, %dma_wait3A_381] : memref<6x80x128xf32, #tpu.memory_space<vmem>> -> memref<1x80x128xf32, #tpu.memory_space<vmem>>
          %dma_wait3A_383 = tpu.memref_squeeze %dma_wait3A_382 : memref<1x80x128xf32, #tpu.memory_space<vmem>> -> memref<80x128xf32, #tpu.memory_space<vmem>>
          %dma_wait3A_384 = arith.constant 0 : i32
          %dma_wait3A_385 = arith.constant 0 : i32
          %dma_wait3A_386 = tpu.memref_slice %arg6[%dma_wait3A_384, %dma_wait3A_385] : memref<320000x128xf32, #tpu.memory_space<hbm>> -> memref<80x128xf32, #tpu.memory_space<hbm>>
          %dma_wait3A_387 = tpu.memref_slice %arg14[%dma_wait3A_379] : memref<6x!tpu.dma_semaphore, #tpu.memory_space<semaphore_mem>> -> memref<1x!tpu.dma_semaphore, #tpu.memory_space<semaphore_mem>>
          %dma_wait3A_388 = tpu.memref_squeeze %dma_wait3A_387 : memref<1x!tpu.dma_semaphore, #tpu.memory_space<semaphore_mem>> -> memref<!tpu.dma_semaphore, #tpu.memory_space<semaphore_mem>>
          %dma_wait3A_389 = arith.constant 0 : i32
          %dma_wait3A_390 = arith.constant 0 : i32
          %dma_wait3A_391 = tpu.memref_slice %arg6[%dma_wait3A_389, %dma_wait3A_390] : memref<320000x128xf32, #tpu.memory_space<hbm>> -> memref<80x128xf32, #tpu.memory_space<hbm>>
          %dma_wait3A_392 = arith.constant 0 : i32
          %dma_wait3A_393 = arith.constant 0 : i32
          %dma_wait3A_394 = tpu.memref_slice %arg11[%dma_wait3A_378, %dma_wait3A_392, %dma_wait3A_393] : memref<6x80x128xf32, #tpu.memory_space<vmem>> -> memref<1x80x128xf32, #tpu.memory_space<vmem>>
          %dma_wait3A_395 = tpu.memref_squeeze %dma_wait3A_394 : memref<1x80x128xf32, #tpu.memory_space<vmem>> -> memref<80x128xf32, #tpu.memory_space<vmem>>
          tpu.wait_dma2 semaphore(%dma_wait3A_388 : memref<!tpu.dma_semaphore, #tpu.memory_space<semaphore_mem>>) src(%dma_wait3A_395 : memref<80x128xf32, #tpu.memory_space<vmem>>) dst(%dma_wait3A_391 : memref<80x128xf32, #tpu.memory_space<hbm>>)
        } else {
        }
        %mul3A_364 = arith.constant 80 : i32
        %mul3A_365 = arith.muli %add3A_198, %mul3A_364 : i32
        %dma_start3A_366 = arith.constant 5 : i32
        %dma_start3A_367 = arith.constant 5 : i32
        %dma_start3A_368 = arith.constant 0 : i32
        %dma_start3A_369 = arith.constant 0 : i32
        %dma_start3A_370 = tpu.memref_slice %arg11[%dma_start3A_366, %dma_start3A_368, %dma_start3A_369] : memref<6x80x128xf32, #tpu.memory_space<vmem>> -> memref<1x80x128xf32, #tpu.memory_space<vmem>>
        %dma_start3A_371 = tpu.memref_squeeze %dma_start3A_370 : memref<1x80x128xf32, #tpu.memory_space<vmem>> -> memref<80x128xf32, #tpu.memory_space<vmem>>
        %dma_start3A_372 = tpu.memref_slice %arg10[%mul3A_365] : memref<10000xi32, #tpu.memory_space<vmem>> -> memref<80xi32, #tpu.memory_space<vmem>>
        %dma_start3A_373 = arith.constant 0 : i32
        %dma_start3A_374 = arith.constant 0 : i32
        %dma_start3A_375 = tpu.memref_slice %arg12[%dma_start3A_373, %dma_start3A_374] : memref<3000x128xf32, #tpu.memory_space<vmem_shared>> -> memref<3000x128xf32, #tpu.memory_space<vmem_shared>>
        %dma_start3A_376 = tpu.memref_slice %arg13[%dma_start3A_367] : memref<6x!tpu.dma_semaphore, #tpu.memory_space<semaphore_mem>> -> memref<1x!tpu.dma_semaphore, #tpu.memory_space<semaphore_mem>>
        %dma_start3A_377 = tpu.memref_squeeze %dma_start3A_376 : memref<1x!tpu.dma_semaphore, #tpu.memory_space<semaphore_mem>> -> memref<!tpu.dma_semaphore, #tpu.memory_space<semaphore_mem>>
        tpu.enqueue_indirect_dma source(%dma_start3A_375 : memref<3000x128xf32, #tpu.memory_space<vmem_shared>>) target(%dma_start3A_371 : memref<80x128xf32, #tpu.memory_space<vmem>>) offsets(%dma_start3A_372 : memref<80xi32, #tpu.memory_space<vmem>>) semaphore(%dma_start3A_377 : memref<!tpu.dma_semaphore, #tpu.memory_space<semaphore_mem>>)
      } else {
      }
      %mul3A_204 = arith.constant 6 : i32
      %mul3A_205 = arith.muli %scan3A_148, %mul3A_204 : i32
      %add3A_206 = arith.constant 0 : i32
      %add3A_207 = arith.addi %mul3A_205, %add3A_206 : i32
      %lt3A_208 = arith.constant 125 : i32
      %lt3A_209 = arith.cmpi slt, %add3A_207, %lt3A_208 : i32
      %convert_element_type3A_210 = arith.extui %lt3A_209 : i1 to i32
      %cond3A_211 = arith.constant 0 : i32
      %cond3A_212 = arith.cmpi ne, %convert_element_type3A_210, %cond3A_211 : i32
      scf.if %cond3A_212 {
        %dma_wait3A_259 = arith.constant 0 : i32
        %dma_wait3A_260 = arith.constant 0 : i32
        %dma_wait3A_261 = arith.constant 0 : i32
        %dma_wait3A_262 = arith.constant 0 : i32
        %dma_wait3A_263 = tpu.memref_slice %arg11[%dma_wait3A_259, %dma_wait3A_261, %dma_wait3A_262] : memref<6x80x128xf32, #tpu.memory_space<vmem>> -> memref<1x80x128xf32, #tpu.memory_space<vmem>>
        %dma_wait3A_264 = tpu.memref_squeeze %dma_wait3A_263 : memref<1x80x128xf32, #tpu.memory_space<vmem>> -> memref<80x128xf32, #tpu.memory_space<vmem>>
        %dma_wait3A_265 = arith.constant 0 : i32
        %dma_wait3A_266 = tpu.memref_slice %arg10[%dma_wait3A_265] : memref<10000xi32, #tpu.memory_space<vmem>> -> memref<80xi32, #tpu.memory_space<vmem>>
        %dma_wait3A_267 = arith.constant 0 : i32
        %dma_wait3A_268 = arith.constant 0 : i32
        %dma_wait3A_269 = tpu.memref_slice %arg12[%dma_wait3A_267, %dma_wait3A_268] : memref<3000x128xf32, #tpu.memory_space<vmem_shared>> -> memref<3000x128xf32, #tpu.memory_space<vmem_shared>>
        %dma_wait3A_270 = tpu.memref_slice %arg13[%dma_wait3A_260] : memref<6x!tpu.dma_semaphore, #tpu.memory_space<semaphore_mem>> -> memref<1x!tpu.dma_semaphore, #tpu.memory_space<semaphore_mem>>
        %dma_wait3A_271 = tpu.memref_squeeze %dma_wait3A_270 : memref<1x!tpu.dma_semaphore, #tpu.memory_space<semaphore_mem>> -> memref<!tpu.dma_semaphore, #tpu.memory_space<semaphore_mem>>
        tpu.wait_indirect_dma semaphore(%dma_wait3A_271 : memref<!tpu.dma_semaphore, #tpu.memory_space<semaphore_mem>>) src(%dma_wait3A_269 : memref<3000x128xf32, #tpu.memory_space<vmem_shared>>) dst(%dma_wait3A_264 : memref<80x128xf32, #tpu.memory_space<vmem>>)
        %mul3A_272 = arith.constant 80 : i32
        %mul3A_273 = arith.muli %add3A_207, %mul3A_272 : i32
        %add3A_274 = arith.addi %mul3A_2, %mul3A_273 : i32
        %dma_start3A_275 = arith.constant 0 : i32
        %dma_start3A_276 = arith.constant 0 : i32
        %dma_start3A_277 = arith.constant 0 : i32
        %dma_start3A_278 = arith.constant 0 : i32
        %dma_start3A_279 = tpu.memref_slice %arg11[%dma_start3A_275, %dma_start3A_277, %dma_start3A_278] : memref<6x80x128xf32, #tpu.memory_space<vmem>> -> memref<1x80x128xf32, #tpu.memory_space<vmem>>
        %dma_start3A_280 = tpu.memref_squeeze %dma_start3A_279 : memref<1x80x128xf32, #tpu.memory_space<vmem>> -> memref<80x128xf32, #tpu.memory_space<vmem>>
        %dma_start3A_281 = arith.constant 0 : i32
        %dma_start3A_282 = tpu.memref_slice %arg6[%add3A_274, %dma_start3A_281] : memref<320000x128xf32, #tpu.memory_space<hbm>> -> memref<80x128xf32, #tpu.memory_space<hbm>>
        %dma_start3A_283 = tpu.memref_slice %arg14[%dma_start3A_276] : memref<6x!tpu.dma_semaphore, #tpu.memory_space<semaphore_mem>> -> memref<1x!tpu.dma_semaphore, #tpu.memory_space<semaphore_mem>>
        %dma_start3A_284 = tpu.memref_squeeze %dma_start3A_283 : memref<1x!tpu.dma_semaphore, #tpu.memory_space<semaphore_mem>> -> memref<!tpu.dma_semaphore, #tpu.memory_space<semaphore_mem>>
        %dma_start3A_285 = arith.constant 0 : i32
        %dma_start3A_286 = tpu.memref_slice %arg6[%add3A_274, %dma_start3A_285] : memref<320000x128xf32, #tpu.memory_space<hbm>> -> memref<80x128xf32, #tpu.memory_space<hbm>>
        %dma_start3A_287 = arith.constant 0 : i32
        %dma_start3A_288 = arith.constant 0 : i32
        %dma_start3A_289 = tpu.memref_slice %arg11[%dma_start3A_275, %dma_start3A_287, %dma_start3A_288] : memref<6x80x128xf32, #tpu.memory_space<vmem>> -> memref<1x80x128xf32, #tpu.memory_space<vmem>>
        %dma_start3A_290 = tpu.memref_squeeze %dma_start3A_289 : memref<1x80x128xf32, #tpu.memory_space<vmem>> -> memref<80x128xf32, #tpu.memory_space<vmem>>
        tpu.enqueue_dma source(%dma_start3A_290 : memref<80x128xf32, #tpu.memory_space<vmem>>) target(%dma_start3A_286 : memref<80x128xf32, #tpu.memory_space<hbm>>) target_semaphore(%dma_start3A_284 : memref<!tpu.dma_semaphore, #tpu.memory_space<semaphore_mem>>)
      } else {
      }
      %mul3A_213 = arith.constant 6 : i32
      %mul3A_214 = arith.muli %scan3A_148, %mul3A_213 : i32
      %add3A_215 = arith.constant 1 : i32
      %add3A_216 = arith.addi %mul3A_214, %add3A_215 : i32
      %lt3A_217 = arith.constant 125 : i32
      %lt3A_218 = arith.cmpi slt, %add3A_216, %lt3A_217 : i32
      %convert_element_type3A_219 = arith.extui %lt3A_218 : i1 to i32
      %cond3A_220 = arith.constant 0 : i32
      %cond3A_221 = arith.cmpi ne, %convert_element_type3A_219, %cond3A_220 : i32
      scf.if %cond3A_221 {
        %dma_wait3A_259 = arith.constant 1 : i32
        %dma_wait3A_260 = arith.constant 1 : i32
        %dma_wait3A_261 = arith.constant 0 : i32
        %dma_wait3A_262 = arith.constant 0 : i32
        %dma_wait3A_263 = tpu.memref_slice %arg11[%dma_wait3A_259, %dma_wait3A_261, %dma_wait3A_262] : memref<6x80x128xf32, #tpu.memory_space<vmem>> -> memref<1x80x128xf32, #tpu.memory_space<vmem>>
        %dma_wait3A_264 = tpu.memref_squeeze %dma_wait3A_263 : memref<1x80x128xf32, #tpu.memory_space<vmem>> -> memref<80x128xf32, #tpu.memory_space<vmem>>
        %dma_wait3A_265 = arith.constant 0 : i32
        %dma_wait3A_266 = tpu.memref_slice %arg10[%dma_wait3A_265] : memref<10000xi32, #tpu.memory_space<vmem>> -> memref<80xi32, #tpu.memory_space<vmem>>
        %dma_wait3A_267 = arith.constant 0 : i32
        %dma_wait3A_268 = arith.constant 0 : i32
        %dma_wait3A_269 = tpu.memref_slice %arg12[%dma_wait3A_267, %dma_wait3A_268] : memref<3000x128xf32, #tpu.memory_space<vmem_shared>> -> memref<3000x128xf32, #tpu.memory_space<vmem_shared>>
        %dma_wait3A_270 = tpu.memref_slice %arg13[%dma_wait3A_260] : memref<6x!tpu.dma_semaphore, #tpu.memory_space<semaphore_mem>> -> memref<1x!tpu.dma_semaphore, #tpu.memory_space<semaphore_mem>>
        %dma_wait3A_271 = tpu.memref_squeeze %dma_wait3A_270 : memref<1x!tpu.dma_semaphore, #tpu.memory_space<semaphore_mem>> -> memref<!tpu.dma_semaphore, #tpu.memory_space<semaphore_mem>>
        tpu.wait_indirect_dma semaphore(%dma_wait3A_271 : memref<!tpu.dma_semaphore, #tpu.memory_space<semaphore_mem>>) src(%dma_wait3A_269 : memref<3000x128xf32, #tpu.memory_space<vmem_shared>>) dst(%dma_wait3A_264 : memref<80x128xf32, #tpu.memory_space<vmem>>)
        %mul3A_272 = arith.constant 80 : i32
        %mul3A_273 = arith.muli %add3A_216, %mul3A_272 : i32
        %add3A_274 = arith.addi %mul3A_2, %mul3A_273 : i32
        %dma_start3A_275 = arith.constant 1 : i32
        %dma_start3A_276 = arith.constant 1 : i32
        %dma_start3A_277 = arith.constant 0 : i32
        %dma_start3A_278 = arith.constant 0 : i32
        %dma_start3A_279 = tpu.memref_slice %arg11[%dma_start3A_275, %dma_start3A_277, %dma_start3A_278] : memref<6x80x128xf32, #tpu.memory_space<vmem>> -> memref<1x80x128xf32, #tpu.memory_space<vmem>>
        %dma_start3A_280 = tpu.memref_squeeze %dma_start3A_279 : memref<1x80x128xf32, #tpu.memory_space<vmem>> -> memref<80x128xf32, #tpu.memory_space<vmem>>
        %dma_start3A_281 = arith.constant 0 : i32
        %dma_start3A_282 = tpu.memref_slice %arg6[%add3A_274, %dma_start3A_281] : memref<320000x128xf32, #tpu.memory_space<hbm>> -> memref<80x128xf32, #tpu.memory_space<hbm>>
        %dma_start3A_283 = tpu.memref_slice %arg14[%dma_start3A_276] : memref<6x!tpu.dma_semaphore, #tpu.memory_space<semaphore_mem>> -> memref<1x!tpu.dma_semaphore, #tpu.memory_space<semaphore_mem>>
        %dma_start3A_284 = tpu.memref_squeeze %dma_start3A_283 : memref<1x!tpu.dma_semaphore, #tpu.memory_space<semaphore_mem>> -> memref<!tpu.dma_semaphore, #tpu.memory_space<semaphore_mem>>
        %dma_start3A_285 = arith.constant 0 : i32
        %dma_start3A_286 = tpu.memref_slice %arg6[%add3A_274, %dma_start3A_285] : memref<320000x128xf32, #tpu.memory_space<hbm>> -> memref<80x128xf32, #tpu.memory_space<hbm>>
        %dma_start3A_287 = arith.constant 0 : i32
        %dma_start3A_288 = arith.constant 0 : i32
        %dma_start3A_289 = tpu.memref_slice %arg11[%dma_start3A_275, %dma_start3A_287, %dma_start3A_288] : memref<6x80x128xf32, #tpu.memory_space<vmem>> -> memref<1x80x128xf32, #tpu.memory_space<vmem>>
        %dma_start3A_290 = tpu.memref_squeeze %dma_start3A_289 : memref<1x80x128xf32, #tpu.memory_space<vmem>> -> memref<80x128xf32, #tpu.memory_space<vmem>>
        tpu.enqueue_dma source(%dma_start3A_290 : memref<80x128xf32, #tpu.memory_space<vmem>>) target(%dma_start3A_286 : memref<80x128xf32, #tpu.memory_space<hbm>>) target_semaphore(%dma_start3A_284 : memref<!tpu.dma_semaphore, #tpu.memory_space<semaphore_mem>>)
      } else {
      }
      %mul3A_222 = arith.constant 6 : i32
      %mul3A_223 = arith.muli %scan3A_148, %mul3A_222 : i32
      %add3A_224 = arith.constant 2 : i32
      %add3A_225 = arith.addi %mul3A_223, %add3A_224 : i32
      %lt3A_226 = arith.constant 125 : i32
      %lt3A_227 = arith.cmpi slt, %add3A_225, %lt3A_226 : i32
      %convert_element_type3A_228 = arith.extui %lt3A_227 : i1 to i32
      %cond3A_229 = arith.constant 0 : i32
      %cond3A_230 = arith.cmpi ne, %convert_element_type3A_228, %cond3A_229 : i32
      scf.if %cond3A_230 {
        %dma_wait3A_259 = arith.constant 2 : i32
        %dma_wait3A_260 = arith.constant 2 : i32
        %dma_wait3A_261 = arith.constant 0 : i32
        %dma_wait3A_262 = arith.constant 0 : i32
        %dma_wait3A_263 = tpu.memref_slice %arg11[%dma_wait3A_259, %dma_wait3A_261, %dma_wait3A_262] : memref<6x80x128xf32, #tpu.memory_space<vmem>> -> memref<1x80x128xf32, #tpu.memory_space<vmem>>
        %dma_wait3A_264 = tpu.memref_squeeze %dma_wait3A_263 : memref<1x80x128xf32, #tpu.memory_space<vmem>> -> memref<80x128xf32, #tpu.memory_space<vmem>>
        %dma_wait3A_265 = arith.constant 0 : i32
        %dma_wait3A_266 = tpu.memref_slice %arg10[%dma_wait3A_265] : memref<10000xi32, #tpu.memory_space<vmem>> -> memref<80xi32, #tpu.memory_space<vmem>>
        %dma_wait3A_267 = arith.constant 0 : i32
        %dma_wait3A_268 = arith.constant 0 : i32
        %dma_wait3A_269 = tpu.memref_slice %arg12[%dma_wait3A_267, %dma_wait3A_268] : memref<3000x128xf32, #tpu.memory_space<vmem_shared>> -> memref<3000x128xf32, #tpu.memory_space<vmem_shared>>
        %dma_wait3A_270 = tpu.memref_slice %arg13[%dma_wait3A_260] : memref<6x!tpu.dma_semaphore, #tpu.memory_space<semaphore_mem>> -> memref<1x!tpu.dma_semaphore, #tpu.memory_space<semaphore_mem>>
        %dma_wait3A_271 = tpu.memref_squeeze %dma_wait3A_270 : memref<1x!tpu.dma_semaphore, #tpu.memory_space<semaphore_mem>> -> memref<!tpu.dma_semaphore, #tpu.memory_space<semaphore_mem>>
        tpu.wait_indirect_dma semaphore(%dma_wait3A_271 : memref<!tpu.dma_semaphore, #tpu.memory_space<semaphore_mem>>) src(%dma_wait3A_269 : memref<3000x128xf32, #tpu.memory_space<vmem_shared>>) dst(%dma_wait3A_264 : memref<80x128xf32, #tpu.memory_space<vmem>>)
        %mul3A_272 = arith.constant 80 : i32
        %mul3A_273 = arith.muli %add3A_225, %mul3A_272 : i32
        %add3A_274 = arith.addi %mul3A_2, %mul3A_273 : i32
        %dma_start3A_275 = arith.constant 2 : i32
        %dma_start3A_276 = arith.constant 2 : i32
        %dma_start3A_277 = arith.constant 0 : i32
        %dma_start3A_278 = arith.constant 0 : i32
        %dma_start3A_279 = tpu.memref_slice %arg11[%dma_start3A_275, %dma_start3A_277, %dma_start3A_278] : memref<6x80x128xf32, #tpu.memory_space<vmem>> -> memref<1x80x128xf32, #tpu.memory_space<vmem>>
        %dma_start3A_280 = tpu.memref_squeeze %dma_start3A_279 : memref<1x80x128xf32, #tpu.memory_space<vmem>> -> memref<80x128xf32, #tpu.memory_space<vmem>>
        %dma_start3A_281 = arith.constant 0 : i32
        %dma_start3A_282 = tpu.memref_slice %arg6[%add3A_274, %dma_start3A_281] : memref<320000x128xf32, #tpu.memory_space<hbm>> -> memref<80x128xf32, #tpu.memory_space<hbm>>
        %dma_start3A_283 = tpu.memref_slice %arg14[%dma_start3A_276] : memref<6x!tpu.dma_semaphore, #tpu.memory_space<semaphore_mem>> -> memref<1x!tpu.dma_semaphore, #tpu.memory_space<semaphore_mem>>
        %dma_start3A_284 = tpu.memref_squeeze %dma_start3A_283 : memref<1x!tpu.dma_semaphore, #tpu.memory_space<semaphore_mem>> -> memref<!tpu.dma_semaphore, #tpu.memory_space<semaphore_mem>>
        %dma_start3A_285 = arith.constant 0 : i32
        %dma_start3A_286 = tpu.memref_slice %arg6[%add3A_274, %dma_start3A_285] : memref<320000x128xf32, #tpu.memory_space<hbm>> -> memref<80x128xf32, #tpu.memory_space<hbm>>
        %dma_start3A_287 = arith.constant 0 : i32
        %dma_start3A_288 = arith.constant 0 : i32
        %dma_start3A_289 = tpu.memref_slice %arg11[%dma_start3A_275, %dma_start3A_287, %dma_start3A_288] : memref<6x80x128xf32, #tpu.memory_space<vmem>> -> memref<1x80x128xf32, #tpu.memory_space<vmem>>
        %dma_start3A_290 = tpu.memref_squeeze %dma_start3A_289 : memref<1x80x128xf32, #tpu.memory_space<vmem>> -> memref<80x128xf32, #tpu.memory_space<vmem>>
        tpu.enqueue_dma source(%dma_start3A_290 : memref<80x128xf32, #tpu.memory_space<vmem>>) target(%dma_start3A_286 : memref<80x128xf32, #tpu.memory_space<hbm>>) target_semaphore(%dma_start3A_284 : memref<!tpu.dma_semaphore, #tpu.memory_space<semaphore_mem>>)
      } else {
      }
      %mul3A_231 = arith.constant 6 : i32
      %mul3A_232 = arith.muli %scan3A_148, %mul3A_231 : i32
      %add3A_233 = arith.constant 3 : i32
      %add3A_234 = arith.addi %mul3A_232, %add3A_233 : i32
      %lt3A_235 = arith.constant 125 : i32
      %lt3A_236 = arith.cmpi slt, %add3A_234, %lt3A_235 : i32
      %convert_element_type3A_237 = arith.extui %lt3A_236 : i1 to i32
      %cond3A_238 = arith.constant 0 : i32
      %cond3A_239 = arith.cmpi ne, %convert_element_type3A_237, %cond3A_238 : i32
      scf.if %cond3A_239 {
        %dma_wait3A_259 = arith.constant 3 : i32
        %dma_wait3A_260 = arith.constant 3 : i32
        %dma_wait3A_261 = arith.constant 0 : i32
        %dma_wait3A_262 = arith.constant 0 : i32
        %dma_wait3A_263 = tpu.memref_slice %arg11[%dma_wait3A_259, %dma_wait3A_261, %dma_wait3A_262] : memref<6x80x128xf32, #tpu.memory_space<vmem>> -> memref<1x80x128xf32, #tpu.memory_space<vmem>>
        %dma_wait3A_264 = tpu.memref_squeeze %dma_wait3A_263 : memref<1x80x128xf32, #tpu.memory_space<vmem>> -> memref<80x128xf32, #tpu.memory_space<vmem>>
        %dma_wait3A_265 = arith.constant 0 : i32
        %dma_wait3A_266 = tpu.memref_slice %arg10[%dma_wait3A_265] : memref<10000xi32, #tpu.memory_space<vmem>> -> memref<80xi32, #tpu.memory_space<vmem>>
        %dma_wait3A_267 = arith.constant 0 : i32
        %dma_wait3A_268 = arith.constant 0 : i32
        %dma_wait3A_269 = tpu.memref_slice %arg12[%dma_wait3A_267, %dma_wait3A_268] : memref<3000x128xf32, #tpu.memory_space<vmem_shared>> -> memref<3000x128xf32, #tpu.memory_space<vmem_shared>>
        %dma_wait3A_270 = tpu.memref_slice %arg13[%dma_wait3A_260] : memref<6x!tpu.dma_semaphore, #tpu.memory_space<semaphore_mem>> -> memref<1x!tpu.dma_semaphore, #tpu.memory_space<semaphore_mem>>
        %dma_wait3A_271 = tpu.memref_squeeze %dma_wait3A_270 : memref<1x!tpu.dma_semaphore, #tpu.memory_space<semaphore_mem>> -> memref<!tpu.dma_semaphore, #tpu.memory_space<semaphore_mem>>
        tpu.wait_indirect_dma semaphore(%dma_wait3A_271 : memref<!tpu.dma_semaphore, #tpu.memory_space<semaphore_mem>>) src(%dma_wait3A_269 : memref<3000x128xf32, #tpu.memory_space<vmem_shared>>) dst(%dma_wait3A_264 : memref<80x128xf32, #tpu.memory_space<vmem>>)
        %mul3A_272 = arith.constant 80 : i32
        %mul3A_273 = arith.muli %add3A_234, %mul3A_272 : i32
        %add3A_274 = arith.addi %mul3A_2, %mul3A_273 : i32
        %dma_start3A_275 = arith.constant 3 : i32
        %dma_start3A_276 = arith.constant 3 : i32
        %dma_start3A_277 = arith.constant 0 : i32
        %dma_start3A_278 = arith.constant 0 : i32
        %dma_start3A_279 = tpu.memref_slice %arg11[%dma_start3A_275, %dma_start3A_277, %dma_start3A_278] : memref<6x80x128xf32, #tpu.memory_space<vmem>> -> memref<1x80x128xf32, #tpu.memory_space<vmem>>
        %dma_start3A_280 = tpu.memref_squeeze %dma_start3A_279 : memref<1x80x128xf32, #tpu.memory_space<vmem>> -> memref<80x128xf32, #tpu.memory_space<vmem>>
        %dma_start3A_281 = arith.constant 0 : i32
        %dma_start3A_282 = tpu.memref_slice %arg6[%add3A_274, %dma_start3A_281] : memref<320000x128xf32, #tpu.memory_space<hbm>> -> memref<80x128xf32, #tpu.memory_space<hbm>>
        %dma_start3A_283 = tpu.memref_slice %arg14[%dma_start3A_276] : memref<6x!tpu.dma_semaphore, #tpu.memory_space<semaphore_mem>> -> memref<1x!tpu.dma_semaphore, #tpu.memory_space<semaphore_mem>>
        %dma_start3A_284 = tpu.memref_squeeze %dma_start3A_283 : memref<1x!tpu.dma_semaphore, #tpu.memory_space<semaphore_mem>> -> memref<!tpu.dma_semaphore, #tpu.memory_space<semaphore_mem>>
        %dma_start3A_285 = arith.constant 0 : i32
        %dma_start3A_286 = tpu.memref_slice %arg6[%add3A_274, %dma_start3A_285] : memref<320000x128xf32, #tpu.memory_space<hbm>> -> memref<80x128xf32, #tpu.memory_space<hbm>>
        %dma_start3A_287 = arith.constant 0 : i32
        %dma_start3A_288 = arith.constant 0 : i32
        %dma_start3A_289 = tpu.memref_slice %arg11[%dma_start3A_275, %dma_start3A_287, %dma_start3A_288] : memref<6x80x128xf32, #tpu.memory_space<vmem>> -> memref<1x80x128xf32, #tpu.memory_space<vmem>>
        %dma_start3A_290 = tpu.memref_squeeze %dma_start3A_289 : memref<1x80x128xf32, #tpu.memory_space<vmem>> -> memref<80x128xf32, #tpu.memory_space<vmem>>
        tpu.enqueue_dma source(%dma_start3A_290 : memref<80x128xf32, #tpu.memory_space<vmem>>) target(%dma_start3A_286 : memref<80x128xf32, #tpu.memory_space<hbm>>) target_semaphore(%dma_start3A_284 : memref<!tpu.dma_semaphore, #tpu.memory_space<semaphore_mem>>)
      } else {
      }
      %mul3A_240 = arith.constant 6 : i32
      %mul3A_241 = arith.muli %scan3A_148, %mul3A_240 : i32
      %add3A_242 = arith.constant 4 : i32
      %add3A_243 = arith.addi %mul3A_241, %add3A_242 : i32
      %lt3A_244 = arith.constant 125 : i32
      %lt3A_245 = arith.cmpi slt, %add3A_243, %lt3A_244 : i32
      %convert_element_type3A_246 = arith.extui %lt3A_245 : i1 to i32
      %cond3A_247 = arith.constant 0 : i32
      %cond3A_248 = arith.cmpi ne, %convert_element_type3A_246, %cond3A_247 : i32
      scf.if %cond3A_248 {
        %dma_wait3A_259 = arith.constant 4 : i32
        %dma_wait3A_260 = arith.constant 4 : i32
        %dma_wait3A_261 = arith.constant 0 : i32
        %dma_wait3A_262 = arith.constant 0 : i32
        %dma_wait3A_263 = tpu.memref_slice %arg11[%dma_wait3A_259, %dma_wait3A_261, %dma_wait3A_262] : memref<6x80x128xf32, #tpu.memory_space<vmem>> -> memref<1x80x128xf32, #tpu.memory_space<vmem>>
        %dma_wait3A_264 = tpu.memref_squeeze %dma_wait3A_263 : memref<1x80x128xf32, #tpu.memory_space<vmem>> -> memref<80x128xf32, #tpu.memory_space<vmem>>
        %dma_wait3A_265 = arith.constant 0 : i32
        %dma_wait3A_266 = tpu.memref_slice %arg10[%dma_wait3A_265] : memref<10000xi32, #tpu.memory_space<vmem>> -> memref<80xi32, #tpu.memory_space<vmem>>
        %dma_wait3A_267 = arith.constant 0 : i32
        %dma_wait3A_268 = arith.constant 0 : i32
        %dma_wait3A_269 = tpu.memref_slice %arg12[%dma_wait3A_267, %dma_wait3A_268] : memref<3000x128xf32, #tpu.memory_space<vmem_shared>> -> memref<3000x128xf32, #tpu.memory_space<vmem_shared>>
        %dma_wait3A_270 = tpu.memref_slice %arg13[%dma_wait3A_260] : memref<6x!tpu.dma_semaphore, #tpu.memory_space<semaphore_mem>> -> memref<1x!tpu.dma_semaphore, #tpu.memory_space<semaphore_mem>>
        %dma_wait3A_271 = tpu.memref_squeeze %dma_wait3A_270 : memref<1x!tpu.dma_semaphore, #tpu.memory_space<semaphore_mem>> -> memref<!tpu.dma_semaphore, #tpu.memory_space<semaphore_mem>>
        tpu.wait_indirect_dma semaphore(%dma_wait3A_271 : memref<!tpu.dma_semaphore, #tpu.memory_space<semaphore_mem>>) src(%dma_wait3A_269 : memref<3000x128xf32, #tpu.memory_space<vmem_shared>>) dst(%dma_wait3A_264 : memref<80x128xf32, #tpu.memory_space<vmem>>)
        %mul3A_272 = arith.constant 80 : i32
        %mul3A_273 = arith.muli %add3A_243, %mul3A_272 : i32
        %add3A_274 = arith.addi %mul3A_2, %mul3A_273 : i32
        %dma_start3A_275 = arith.constant 4 : i32
        %dma_start3A_276 = arith.constant 4 : i32
        %dma_start3A_277 = arith.constant 0 : i32
        %dma_start3A_278 = arith.constant 0 : i32
        %dma_start3A_279 = tpu.memref_slice %arg11[%dma_start3A_275, %dma_start3A_277, %dma_start3A_278] : memref<6x80x128xf32, #tpu.memory_space<vmem>> -> memref<1x80x128xf32, #tpu.memory_space<vmem>>
        %dma_start3A_280 = tpu.memref_squeeze %dma_start3A_279 : memref<1x80x128xf32, #tpu.memory_space<vmem>> -> memref<80x128xf32, #tpu.memory_space<vmem>>
        %dma_start3A_281 = arith.constant 0 : i32
        %dma_start3A_282 = tpu.memref_slice %arg6[%add3A_274, %dma_start3A_281] : memref<320000x128xf32, #tpu.memory_space<hbm>> -> memref<80x128xf32, #tpu.memory_space<hbm>>
        %dma_start3A_283 = tpu.memref_slice %arg14[%dma_start3A_276] : memref<6x!tpu.dma_semaphore, #tpu.memory_space<semaphore_mem>> -> memref<1x!tpu.dma_semaphore, #tpu.memory_space<semaphore_mem>>
        %dma_start3A_284 = tpu.memref_squeeze %dma_start3A_283 : memref<1x!tpu.dma_semaphore, #tpu.memory_space<semaphore_mem>> -> memref<!tpu.dma_semaphore, #tpu.memory_space<semaphore_mem>>
        %dma_start3A_285 = arith.constant 0 : i32
        %dma_start3A_286 = tpu.memref_slice %arg6[%add3A_274, %dma_start3A_285] : memref<320000x128xf32, #tpu.memory_space<hbm>> -> memref<80x128xf32, #tpu.memory_space<hbm>>
        %dma_start3A_287 = arith.constant 0 : i32
        %dma_start3A_288 = arith.constant 0 : i32
        %dma_start3A_289 = tpu.memref_slice %arg11[%dma_start3A_275, %dma_start3A_287, %dma_start3A_288] : memref<6x80x128xf32, #tpu.memory_space<vmem>> -> memref<1x80x128xf32, #tpu.memory_space<vmem>>
        %dma_start3A_290 = tpu.memref_squeeze %dma_start3A_289 : memref<1x80x128xf32, #tpu.memory_space<vmem>> -> memref<80x128xf32, #tpu.memory_space<vmem>>
        tpu.enqueue_dma source(%dma_start3A_290 : memref<80x128xf32, #tpu.memory_space<vmem>>) target(%dma_start3A_286 : memref<80x128xf32, #tpu.memory_space<hbm>>) target_semaphore(%dma_start3A_284 : memref<!tpu.dma_semaphore, #tpu.memory_space<semaphore_mem>>)
      } else {
      }
      %mul3A_249 = arith.constant 6 : i32
      %mul3A_250 = arith.muli %scan3A_148, %mul3A_249 : i32
      %add3A_251 = arith.constant 5 : i32
      %add3A_252 = arith.addi %mul3A_250, %add3A_251 : i32
      %lt3A_253 = arith.constant 125 : i32
      %lt3A_254 = arith.cmpi slt, %add3A_252, %lt3A_253 : i32
      %convert_element_type3A_255 = arith.extui %lt3A_254 : i1 to i32
      %cond3A_256 = arith.constant 0 : i32
      %cond3A_257 = arith.cmpi ne, %convert_element_type3A_255, %cond3A_256 : i32
      scf.if %cond3A_257 {
        %dma_wait3A_259 = arith.constant 5 : i32
        %dma_wait3A_260 = arith.constant 5 : i32
        %dma_wait3A_261 = arith.constant 0 : i32
        %dma_wait3A_262 = arith.constant 0 : i32
        %dma_wait3A_263 = tpu.memref_slice %arg11[%dma_wait3A_259, %dma_wait3A_261, %dma_wait3A_262] : memref<6x80x128xf32, #tpu.memory_space<vmem>> -> memref<1x80x128xf32, #tpu.memory_space<vmem>>
        %dma_wait3A_264 = tpu.memref_squeeze %dma_wait3A_263 : memref<1x80x128xf32, #tpu.memory_space<vmem>> -> memref<80x128xf32, #tpu.memory_space<vmem>>
        %dma_wait3A_265 = arith.constant 0 : i32
        %dma_wait3A_266 = tpu.memref_slice %arg10[%dma_wait3A_265] : memref<10000xi32, #tpu.memory_space<vmem>> -> memref<80xi32, #tpu.memory_space<vmem>>
        %dma_wait3A_267 = arith.constant 0 : i32
        %dma_wait3A_268 = arith.constant 0 : i32
        %dma_wait3A_269 = tpu.memref_slice %arg12[%dma_wait3A_267, %dma_wait3A_268] : memref<3000x128xf32, #tpu.memory_space<vmem_shared>> -> memref<3000x128xf32, #tpu.memory_space<vmem_shared>>
        %dma_wait3A_270 = tpu.memref_slice %arg13[%dma_wait3A_260] : memref<6x!tpu.dma_semaphore, #tpu.memory_space<semaphore_mem>> -> memref<1x!tpu.dma_semaphore, #tpu.memory_space<semaphore_mem>>
        %dma_wait3A_271 = tpu.memref_squeeze %dma_wait3A_270 : memref<1x!tpu.dma_semaphore, #tpu.memory_space<semaphore_mem>> -> memref<!tpu.dma_semaphore, #tpu.memory_space<semaphore_mem>>
        tpu.wait_indirect_dma semaphore(%dma_wait3A_271 : memref<!tpu.dma_semaphore, #tpu.memory_space<semaphore_mem>>) src(%dma_wait3A_269 : memref<3000x128xf32, #tpu.memory_space<vmem_shared>>) dst(%dma_wait3A_264 : memref<80x128xf32, #tpu.memory_space<vmem>>)
        %mul3A_272 = arith.constant 80 : i32
        %mul3A_273 = arith.muli %add3A_252, %mul3A_272 : i32
        %add3A_274 = arith.addi %mul3A_2, %mul3A_273 : i32
        %dma_start3A_275 = arith.constant 5 : i32
        %dma_start3A_276 = arith.constant 5 : i32
        %dma_start3A_277 = arith.constant 0 : i32
        %dma_start3A_278 = arith.constant 0 : i32
        %dma_start3A_279 = tpu.memref_slice %arg11[%dma_start3A_275, %dma_start3A_277, %dma_start3A_278] : memref<6x80x128xf32, #tpu.memory_space<vmem>> -> memref<1x80x128xf32, #tpu.memory_space<vmem>>
        %dma_start3A_280 = tpu.memref_squeeze %dma_start3A_279 : memref<1x80x128xf32, #tpu.memory_space<vmem>> -> memref<80x128xf32, #tpu.memory_space<vmem>>
        %dma_start3A_281 = arith.constant 0 : i32
        %dma_start3A_282 = tpu.memref_slice %arg6[%add3A_274, %dma_start3A_281] : memref<320000x128xf32, #tpu.memory_space<hbm>> -> memref<80x128xf32, #tpu.memory_space<hbm>>
        %dma_start3A_283 = tpu.memref_slice %arg14[%dma_start3A_276] : memref<6x!tpu.dma_semaphore, #tpu.memory_space<semaphore_mem>> -> memref<1x!tpu.dma_semaphore, #tpu.memory_space<semaphore_mem>>
        %dma_start3A_284 = tpu.memref_squeeze %dma_start3A_283 : memref<1x!tpu.dma_semaphore, #tpu.memory_space<semaphore_mem>> -> memref<!tpu.dma_semaphore, #tpu.memory_space<semaphore_mem>>
        %dma_start3A_285 = arith.constant 0 : i32
        %dma_start3A_286 = tpu.memref_slice %arg6[%add3A_274, %dma_start3A_285] : memref<320000x128xf32, #tpu.memory_space<hbm>> -> memref<80x128xf32, #tpu.memory_space<hbm>>
        %dma_start3A_287 = arith.constant 0 : i32
        %dma_start3A_288 = arith.constant 0 : i32
        %dma_start3A_289 = tpu.memref_slice %arg11[%dma_start3A_275, %dma_start3A_287, %dma_start3A_288] : memref<6x80x128xf32, #tpu.memory_space<vmem>> -> memref<1x80x128xf32, #tpu.memory_space<vmem>>
        %dma_start3A_290 = tpu.memref_squeeze %dma_start3A_289 : memref<1x80x128xf32, #tpu.memory_space<vmem>> -> memref<80x128xf32, #tpu.memory_space<vmem>>
        tpu.enqueue_dma source(%dma_start3A_290 : memref<80x128xf32, #tpu.memory_space<vmem>>) target(%dma_start3A_286 : memref<80x128xf32, #tpu.memory_space<hbm>>) target_semaphore(%dma_start3A_284 : memref<!tpu.dma_semaphore, #tpu.memory_space<semaphore_mem>>)
      } else {
      }
      %scan3A_258 = arith.constant 0 : i32
      scf.yield %scan3A_258 : i32
    }
    %scan3A_39 = arith.constant 21 : i32
    %dma_wait3A_40 = arith.constant 0 : i32
    %dma_wait3A_41 = arith.constant 0 : i32
    %dma_wait3A_42 = arith.constant 0 : i32
    %dma_wait3A_43 = arith.constant 0 : i32
    %dma_wait3A_44 = tpu.memref_slice %arg11[%dma_wait3A_40, %dma_wait3A_42, %dma_wait3A_43] : memref<6x80x128xf32, #tpu.memory_space<vmem>> -> memref<1x80x128xf32, #tpu.memory_space<vmem>>
    %dma_wait3A_45 = tpu.memref_squeeze %dma_wait3A_44 : memref<1x80x128xf32, #tpu.memory_space<vmem>> -> memref<80x128xf32, #tpu.memory_space<vmem>>
    %dma_wait3A_46 = arith.constant 0 : i32
    %dma_wait3A_47 = arith.constant 0 : i32
    %dma_wait3A_48 = tpu.memref_slice %arg6[%dma_wait3A_46, %dma_wait3A_47] : memref<320000x128xf32, #tpu.memory_space<hbm>> -> memref<80x128xf32, #tpu.memory_space<hbm>>
    %dma_wait3A_49 = tpu.memref_slice %arg14[%dma_wait3A_41] : memref<6x!tpu.dma_semaphore, #tpu.memory_space<semaphore_mem>> -> memref<1x!tpu.dma_semaphore, #tpu.memory_space<semaphore_mem>>
    %dma_wait3A_50 = tpu.memref_squeeze %dma_wait3A_49 : memref<1x!tpu.dma_semaphore, #tpu.memory_space<semaphore_mem>> -> memref<!tpu.dma_semaphore, #tpu.memory_space<semaphore_mem>>
    %dma_wait3A_51 = arith.constant 0 : i32
    %dma_wait3A_52 = arith.constant 0 : i32
    %dma_wait3A_53 = tpu.memref_slice %arg6[%dma_wait3A_51, %dma_wait3A_52] : memref<320000x128xf32, #tpu.memory_space<hbm>> -> memref<80x128xf32, #tpu.memory_space<hbm>>
    %dma_wait3A_54 = arith.constant 0 : i32
    %dma_wait3A_55 = arith.constant 0 : i32
    %dma_wait3A_56 = tpu.memref_slice %arg11[%dma_wait3A_40, %dma_wait3A_54, %dma_wait3A_55] : memref<6x80x128xf32, #tpu.memory_space<vmem>> -> memref<1x80x128xf32, #tpu.memory_space<vmem>>
    %dma_wait3A_57 = tpu.memref_squeeze %dma_wait3A_56 : memref<1x80x128xf32, #tpu.memory_space<vmem>> -> memref<80x128xf32, #tpu.memory_space<vmem>>
    tpu.wait_dma2 semaphore(%dma_wait3A_50 : memref<!tpu.dma_semaphore, #tpu.memory_space<semaphore_mem>>) src(%dma_wait3A_57 : memref<80x128xf32, #tpu.memory_space<vmem>>) dst(%dma_wait3A_53 : memref<80x128xf32, #tpu.memory_space<hbm>>)
    %dma_wait3A_58 = arith.constant 1 : i32
    %dma_wait3A_59 = arith.constant 1 : i32
    %dma_wait3A_60 = arith.constant 0 : i32
    %dma_wait3A_61 = arith.constant 0 : i32
    %dma_wait3A_62 = tpu.memref_slice %arg11[%dma_wait3A_58, %dma_wait3A_60, %dma_wait3A_61] : memref<6x80x128xf32, #tpu.memory_space<vmem>> -> memref<1x80x128xf32, #tpu.memory_space<vmem>>
    %dma_wait3A_63 = tpu.memref_squeeze %dma_wait3A_62 : memref<1x80x128xf32, #tpu.memory_space<vmem>> -> memref<80x128xf32, #tpu.memory_space<vmem>>
    %dma_wait3A_64 = arith.constant 0 : i32
    %dma_wait3A_65 = arith.constant 0 : i32
    %dma_wait3A_66 = tpu.memref_slice %arg6[%dma_wait3A_64, %dma_wait3A_65] : memref<320000x128xf32, #tpu.memory_space<hbm>> -> memref<80x128xf32, #tpu.memory_space<hbm>>
    %dma_wait3A_67 = tpu.memref_slice %arg14[%dma_wait3A_59] : memref<6x!tpu.dma_semaphore, #tpu.memory_space<semaphore_mem>> -> memref<1x!tpu.dma_semaphore, #tpu.memory_space<semaphore_mem>>
    %dma_wait3A_68 = tpu.memref_squeeze %dma_wait3A_67 : memref<1x!tpu.dma_semaphore, #tpu.memory_space<semaphore_mem>> -> memref<!tpu.dma_semaphore, #tpu.memory_space<semaphore_mem>>
    %dma_wait3A_69 = arith.constant 0 : i32
    %dma_wait3A_70 = arith.constant 0 : i32
    %dma_wait3A_71 = tpu.memref_slice %arg6[%dma_wait3A_69, %dma_wait3A_70] : memref<320000x128xf32, #tpu.memory_space<hbm>> -> memref<80x128xf32, #tpu.memory_space<hbm>>
    %dma_wait3A_72 = arith.constant 0 : i32
    %dma_wait3A_73 = arith.constant 0 : i32
    %dma_wait3A_74 = tpu.memref_slice %arg11[%dma_wait3A_58, %dma_wait3A_72, %dma_wait3A_73] : memref<6x80x128xf32, #tpu.memory_space<vmem>> -> memref<1x80x128xf32, #tpu.memory_space<vmem>>
    %dma_wait3A_75 = tpu.memref_squeeze %dma_wait3A_74 : memref<1x80x128xf32, #tpu.memory_space<vmem>> -> memref<80x128xf32, #tpu.memory_space<vmem>>
    tpu.wait_dma2 semaphore(%dma_wait3A_68 : memref<!tpu.dma_semaphore, #tpu.memory_space<semaphore_mem>>) src(%dma_wait3A_75 : memref<80x128xf32, #tpu.memory_space<vmem>>) dst(%dma_wait3A_71 : memref<80x128xf32, #tpu.memory_space<hbm>>)
    %dma_wait3A_76 = arith.constant 2 : i32
    %dma_wait3A_77 = arith.constant 2 : i32
    %dma_wait3A_78 = arith.constant 0 : i32
    %dma_wait3A_79 = arith.constant 0 : i32
    %dma_wait3A_80 = tpu.memref_slice %arg11[%dma_wait3A_76, %dma_wait3A_78, %dma_wait3A_79] : memref<6x80x128xf32, #tpu.memory_space<vmem>> -> memref<1x80x128xf32, #tpu.memory_space<vmem>>
    %dma_wait3A_81 = tpu.memref_squeeze %dma_wait3A_80 : memref<1x80x128xf32, #tpu.memory_space<vmem>> -> memref<80x128xf32, #tpu.memory_space<vmem>>
    %dma_wait3A_82 = arith.constant 0 : i32
    %dma_wait3A_83 = arith.constant 0 : i32
    %dma_wait3A_84 = tpu.memref_slice %arg6[%dma_wait3A_82, %dma_wait3A_83] : memref<320000x128xf32, #tpu.memory_space<hbm>> -> memref<80x128xf32, #tpu.memory_space<hbm>>
    %dma_wait3A_85 = tpu.memref_slice %arg14[%dma_wait3A_77] : memref<6x!tpu.dma_semaphore, #tpu.memory_space<semaphore_mem>> -> memref<1x!tpu.dma_semaphore, #tpu.memory_space<semaphore_mem>>
    %dma_wait3A_86 = tpu.memref_squeeze %dma_wait3A_85 : memref<1x!tpu.dma_semaphore, #tpu.memory_space<semaphore_mem>> -> memref<!tpu.dma_semaphore, #tpu.memory_space<semaphore_mem>>
    %dma_wait3A_87 = arith.constant 0 : i32
    %dma_wait3A_88 = arith.constant 0 : i32
    %dma_wait3A_89 = tpu.memref_slice %arg6[%dma_wait3A_87, %dma_wait3A_88] : memref<320000x128xf32, #tpu.memory_space<hbm>> -> memref<80x128xf32, #tpu.memory_space<hbm>>
    %dma_wait3A_90 = arith.constant 0 : i32
    %dma_wait3A_91 = arith.constant 0 : i32
    %dma_wait3A_92 = tpu.memref_slice %arg11[%dma_wait3A_76, %dma_wait3A_90, %dma_wait3A_91] : memref<6x80x128xf32, #tpu.memory_space<vmem>> -> memref<1x80x128xf32, #tpu.memory_space<vmem>>
    %dma_wait3A_93 = tpu.memref_squeeze %dma_wait3A_92 : memref<1x80x128xf32, #tpu.memory_space<vmem>> -> memref<80x128xf32, #tpu.memory_space<vmem>>
    tpu.wait_dma2 semaphore(%dma_wait3A_86 : memref<!tpu.dma_semaphore, #tpu.memory_space<semaphore_mem>>) src(%dma_wait3A_93 : memref<80x128xf32, #tpu.memory_space<vmem>>) dst(%dma_wait3A_89 : memref<80x128xf32, #tpu.memory_space<hbm>>)
    %dma_wait3A_94 = arith.constant 3 : i32
    %dma_wait3A_95 = arith.constant 3 : i32
    %dma_wait3A_96 = arith.constant 0 : i32
    %dma_wait3A_97 = arith.constant 0 : i32
    %dma_wait3A_98 = tpu.memref_slice %arg11[%dma_wait3A_94, %dma_wait3A_96, %dma_wait3A_97] : memref<6x80x128xf32, #tpu.memory_space<vmem>> -> memref<1x80x128xf32, #tpu.memory_space<vmem>>
    %dma_wait3A_99 = tpu.memref_squeeze %dma_wait3A_98 : memref<1x80x128xf32, #tpu.memory_space<vmem>> -> memref<80x128xf32, #tpu.memory_space<vmem>>
    %dma_wait3A_100 = arith.constant 0 : i32
    %dma_wait3A_101 = arith.constant 0 : i32
    %dma_wait3A_102 = tpu.memref_slice %arg6[%dma_wait3A_100, %dma_wait3A_101] : memref<320000x128xf32, #tpu.memory_space<hbm>> -> memref<80x128xf32, #tpu.memory_space<hbm>>
    %dma_wait3A_103 = tpu.memref_slice %arg14[%dma_wait3A_95] : memref<6x!tpu.dma_semaphore, #tpu.memory_space<semaphore_mem>> -> memref<1x!tpu.dma_semaphore, #tpu.memory_space<semaphore_mem>>
    %dma_wait3A_104 = tpu.memref_squeeze %dma_wait3A_103 : memref<1x!tpu.dma_semaphore, #tpu.memory_space<semaphore_mem>> -> memref<!tpu.dma_semaphore, #tpu.memory_space<semaphore_mem>>
    %dma_wait3A_105 = arith.constant 0 : i32
    %dma_wait3A_106 = arith.constant 0 : i32
    %dma_wait3A_107 = tpu.memref_slice %arg6[%dma_wait3A_105, %dma_wait3A_106] : memref<320000x128xf32, #tpu.memory_space<hbm>> -> memref<80x128xf32, #tpu.memory_space<hbm>>
    %dma_wait3A_108 = arith.constant 0 : i32
    %dma_wait3A_109 = arith.constant 0 : i32
    %dma_wait3A_110 = tpu.memref_slice %arg11[%dma_wait3A_94, %dma_wait3A_108, %dma_wait3A_109] : memref<6x80x128xf32, #tpu.memory_space<vmem>> -> memref<1x80x128xf32, #tpu.memory_space<vmem>>
    %dma_wait3A_111 = tpu.memref_squeeze %dma_wait3A_110 : memref<1x80x128xf32, #tpu.memory_space<vmem>> -> memref<80x128xf32, #tpu.memory_space<vmem>>
    tpu.wait_dma2 semaphore(%dma_wait3A_104 : memref<!tpu.dma_semaphore, #tpu.memory_space<semaphore_mem>>) src(%dma_wait3A_111 : memref<80x128xf32, #tpu.memory_space<vmem>>) dst(%dma_wait3A_107 : memref<80x128xf32, #tpu.memory_space<hbm>>)
    %dma_wait3A_112 = arith.constant 4 : i32
    %dma_wait3A_113 = arith.constant 4 : i32
    %dma_wait3A_114 = arith.constant 0 : i32
    %dma_wait3A_115 = arith.constant 0 : i32
    %dma_wait3A_116 = tpu.memref_slice %arg11[%dma_wait3A_112, %dma_wait3A_114, %dma_wait3A_115] : memref<6x80x128xf32, #tpu.memory_space<vmem>> -> memref<1x80x128xf32, #tpu.memory_space<vmem>>
    %dma_wait3A_117 = tpu.memref_squeeze %dma_wait3A_116 : memref<1x80x128xf32, #tpu.memory_space<vmem>> -> memref<80x128xf32, #tpu.memory_space<vmem>>
    %dma_wait3A_118 = arith.constant 0 : i32
    %dma_wait3A_119 = arith.constant 0 : i32
    %dma_wait3A_120 = tpu.memref_slice %arg6[%dma_wait3A_118, %dma_wait3A_119] : memref<320000x128xf32, #tpu.memory_space<hbm>> -> memref<80x128xf32, #tpu.memory_space<hbm>>
    %dma_wait3A_121 = tpu.memref_slice %arg14[%dma_wait3A_113] : memref<6x!tpu.dma_semaphore, #tpu.memory_space<semaphore_mem>> -> memref<1x!tpu.dma_semaphore, #tpu.memory_space<semaphore_mem>>
    %dma_wait3A_122 = tpu.memref_squeeze %dma_wait3A_121 : memref<1x!tpu.dma_semaphore, #tpu.memory_space<semaphore_mem>> -> memref<!tpu.dma_semaphore, #tpu.memory_space<semaphore_mem>>
    %dma_wait3A_123 = arith.constant 0 : i32
    %dma_wait3A_124 = arith.constant 0 : i32
    %dma_wait3A_125 = tpu.memref_slice %arg6[%dma_wait3A_123, %dma_wait3A_124] : memref<320000x128xf32, #tpu.memory_space<hbm>> -> memref<80x128xf32, #tpu.memory_space<hbm>>
    %dma_wait3A_126 = arith.constant 0 : i32
    %dma_wait3A_127 = arith.constant 0 : i32
    %dma_wait3A_128 = tpu.memref_slice %arg11[%dma_wait3A_112, %dma_wait3A_126, %dma_wait3A_127] : memref<6x80x128xf32, #tpu.memory_space<vmem>> -> memref<1x80x128xf32, #tpu.memory_space<vmem>>
    %dma_wait3A_129 = tpu.memref_squeeze %dma_wait3A_128 : memref<1x80x128xf32, #tpu.memory_space<vmem>> -> memref<80x128xf32, #tpu.memory_space<vmem>>
    tpu.wait_dma2 semaphore(%dma_wait3A_122 : memref<!tpu.dma_semaphore, #tpu.memory_space<semaphore_mem>>) src(%dma_wait3A_129 : memref<80x128xf32, #tpu.memory_space<vmem>>) dst(%dma_wait3A_125 : memref<80x128xf32, #tpu.memory_space<hbm>>)
    %dma_wait3A_130 = arith.constant 5 : i32
    %dma_wait3A_131 = arith.constant 5 : i32
    %dma_wait3A_132 = arith.constant 0 : i32
    %dma_wait3A_133 = arith.constant 0 : i32
    %dma_wait3A_134 = tpu.memref_slice %arg11[%dma_wait3A_130, %dma_wait3A_132, %dma_wait3A_133] : memref<6x80x128xf32, #tpu.memory_space<vmem>> -> memref<1x80x128xf32, #tpu.memory_space<vmem>>
    %dma_wait3A_135 = tpu.memref_squeeze %dma_wait3A_134 : memref<1x80x128xf32, #tpu.memory_space<vmem>> -> memref<80x128xf32, #tpu.memory_space<vmem>>
    %dma_wait3A_136 = arith.constant 0 : i32
    %dma_wait3A_137 = arith.constant 0 : i32
    %dma_wait3A_138 = tpu.memref_slice %arg6[%dma_wait3A_136, %dma_wait3A_137] : memref<320000x128xf32, #tpu.memory_space<hbm>> -> memref<80x128xf32, #tpu.memory_space<hbm>>
    %dma_wait3A_139 = tpu.memref_slice %arg14[%dma_wait3A_131] : memref<6x!tpu.dma_semaphore, #tpu.memory_space<semaphore_mem>> -> memref<1x!tpu.dma_semaphore, #tpu.memory_space<semaphore_mem>>
    %dma_wait3A_140 = tpu.memref_squeeze %dma_wait3A_139 : memref<1x!tpu.dma_semaphore, #tpu.memory_space<semaphore_mem>> -> memref<!tpu.dma_semaphore, #tpu.memory_space<semaphore_mem>>
    %dma_wait3A_141 = arith.constant 0 : i32
    %dma_wait3A_142 = arith.constant 0 : i32
    %dma_wait3A_143 = tpu.memref_slice %arg6[%dma_wait3A_141, %dma_wait3A_142] : memref<320000x128xf32, #tpu.memory_space<hbm>> -> memref<80x128xf32, #tpu.memory_space<hbm>>
    %dma_wait3A_144 = arith.constant 0 : i32
    %dma_wait3A_145 = arith.constant 0 : i32
    %dma_wait3A_146 = tpu.memref_slice %arg11[%dma_wait3A_130, %dma_wait3A_144, %dma_wait3A_145] : memref<6x80x128xf32, #tpu.memory_space<vmem>> -> memref<1x80x128xf32, #tpu.memory_space<vmem>>
    %dma_wait3A_147 = tpu.memref_squeeze %dma_wait3A_146 : memref<1x80x128xf32, #tpu.memory_space<vmem>> -> memref<80x128xf32, #tpu.memory_space<vmem>>
    tpu.wait_dma2 semaphore(%dma_wait3A_140 : memref<!tpu.dma_semaphore, #tpu.memory_space<semaphore_mem>>) src(%dma_wait3A_147 : memref<80x128xf32, #tpu.memory_space<vmem>>) dst(%dma_wait3A_143 : memref<80x128xf32, #tpu.memory_space<hbm>>)
    return
  }
}

</mosaic_0001>

<sc_bundles>
// kernel: kernel.3.cloned.1.call-start
scs
__scs_entry_jumppad:
0x0: {  	(pc) =	sbr.rel $0x88, $3  }
0x1: {  	(tag) =	ssettag $0x0;
	lr =	simm.s32 $0x1  }
0x2: {  	[smem:$0x3F9E] =	sst lr;
	_ =	strace $0xD0000000  }
0x3: {  	_ = 	snop  }
0x4: {  	_ = 	snop  }
0x5: {  	_ = 	snop  }
0x6: {  	_ = 	snop  }
0x7: {  	_ = 	snop  }
__scs_overlays_trampoline_lowered:
0x8: {  	[smem:$0x3FAD] =	sst s0  }
0x9: {  	[smem:$0x3FAE] =	sst s1  }
0xa: {  	[smem:$0x3FAF] =	sst s2  }
0xb: {  	[smem:$0x3FB0] =	sst s3  }
0xc: {  	[smem:$0x3FB1] =	sst s4  }
0xd: {  	[smem:$0x3FB2] =	sst s5  }
0xe: {  	[smem:$0x3FB3] =	sst s6  }
0xf: {  	[smem:$0x3FB4] =	sst s7  }
0x10: {  	[smem:$0x3FB5] =	sst s8  }
0x11: {  	[smem:$0x3FB6] =	sst s9;
	s0 =	simm.s32 @!p0 $0x0  }
0x12: {  	s1 =	sld [smem:$0x3F9C];
	s0 =	simm.s32 @p0 $0x1  }
0x13: {  	[smem:$0x3FB7] =	sst s0;
	s0 =	simm.s32 @!p1 $0x0  }
0x14: {  	s2 =	sld [smem:$0x3F9B];
	s0 =	simm.s32 @p1 $0x1  }
0x15: {  	[smem:$0x3FB8] =	sst s0;
	s0 =	simm.s32 @!p2 $0x0  }
0x16: {  	s3 =	sld [smem:$0x3FDB];
	s0 =	simm.s32 @p2 $0x1  }
0x17: {  	s4 =	simm.s32 $0x1BF5;
	[smem:$0x3FBA] =	sst s0  }
0x18: {  	s0 =	sld [smem:$0x3F9D];
	_ =	swait.ge [sflag:s4], $0x0  }
0x19: {  	s7 =	sld [smem:$0x3F9E]  }
0x1a: {  	s8 =	sadd.s32 $0xFFFFE003, lr  }
0x1b: {  	s9 =	sadd.s32 $0xFFFFFEF7, lr;
	s5 =	simm.s32 $0xFFFFFFFF;
	p2 =	slt.u32 s8, $0xFFFFF086  }
0x1c: {  	p1 =	slt.u32 s9, $0xF7A;
	s5 =	simm.s32 @!p2 $0x0  }
0x1d: {  	s5 =	simm.s32 @p1 $0x1;
	p0 =	seq.s32 s7, s2  }
0x1e: {  	s7 =	smul.u32 @!p0 $0xF7A, s2;
	p2 =	seq.s32 @!p0 s5, $0x0  }
0x1f: {  	s9 =	smul.u32 $0xF7A, s1;
	s8 =	simm.s32 @!p0 $0x1BF5;
	p2 =	por !p2, p0  }
0x20: {  	[sflag:s8] =	ssyncset.s32 @!p0 $0xFFFFF086;
	s6 =	sadd.s32 @!p0 s3, s7;
	s7 =	simm.s32 @!p0 $0x108  }
0x21: {  	s3 =	sadd.s32 s3, s9;
	s6 =	sadd.s32 @!p0 $0x88, s6;
	s7 =	simm.s32 @p2 $0x1082  }
0x22: {  	[simem:s7], [sflag:s8] =	dma.local @!p0 [hbm:s6], $0xF7A  }
0x23: {  	s9 =	sor.u32 $0xD0000000, s2;
	s6 =	simm.s32 $0x108;
	_ =	swait.ge @!p0 [sflag:s8], $0x0  }
0x24: {  	s3 =	sadd.s32 $0x88, s3;
	s6 =	simm.s32 @!p1 $0x1082;
	[sflag:s4] =	ssyncset.s32 $0xFFFFF086  }
0x25: {  	[simem:s6], [sflag:s4] =	dma.local [hbm:s3], $0xF7A  }
0x26: {  	[smem:$0x3F9E] =	sst s1;
	(tag) =	ssettag s2;
	_ =	strace s9  }
0x27: {  	s1 =	sld [smem:$0x3FAE]  }
0x28: {  	s2 =	sld [smem:$0x3FAF]  }
0x29: {  	s4 =	sld [smem:$0x3FB1]  }
0x2a: {  	p0 =	seq.s32 s5, $0x0;
	s5 =	sld [smem:$0x3FB2]  }
0x2b: {  	s6 =	sld [smem:$0x3FB3]  }
0x2c: {  	s7 =	sld [smem:$0x3FB4]  }
0x2d: {  	s3 =	simm.s32 $0x108;
	s8 =	sld [smem:$0x3FB5]  }
0x2e: {  	s3 =	simm.s32 @!p0 $0x1082;
	s9 =	sld [smem:$0x3FB6]  }
0x2f: {  	lr =	sadd.s32 s0, s3;
	s0 =	sld [smem:$0x3FAD]  }
0x30: {  	s3 =	sld [smem:$0x3FB0]  }
0x31: {  	[smem:$0x3FB9] =	sst s10  }
0x32: {  	s10 =	sld [smem:$0x3FB7];
	_ =	sdelay $0x3  }
0x33: {  	p0 =	seq.s32 s10, $0x1;
	s10 =	sld [smem:$0x3FB9];
	_ =	sdelay $0x3  }
0x34: {  	[smem:$0x3FB9] =	sst s10  }
0x35: {  	s10 =	sld [smem:$0x3FB8];
	_ =	sdelay $0x3  }
0x36: {  	p1 =	seq.s32 s10, $0x1;
	s10 =	sld [smem:$0x3FB9];
	_ =	sdelay $0x3  }
0x37: {  	[smem:$0x3FB9] =	sst s10  }
0x38: {  	s10 =	sld [smem:$0x3FBA]  }
0x39: {  	_ = 	snop;
	(pc) =	sbr.ind lr, $3  }
0x3a: {  	_ = 	snop  }
0x3b: {  	_ = 	snop  }
0x3c: {  	p2 =	seq.s32 s10, $0x1;
	s10 =	sld [smem:$0x3FB9]  }
0x3d: {  	_ =	shalt  }
0x3e: {  	_ =	shalt  }
0x3f: {  	_ =	shalt  }
0x40: {  	_ =	shalt  }
0x41: {  	_ =	shalt  }
0x42: {  	_ =	shalt  }
0x43: {  	_ =	shalt  }
0x44: {  	_ =	shalt  }
0x45: {  	_ =	shalt  }
0x46: {  	_ =	shalt  }
0x47: {  	_ =	shalt  }
0x48: {  	_ =	shalt  }
0x49: {  	_ =	shalt  }
0x4a: {  	_ =	shalt  }
0x4b: {  	_ =	shalt  }
0x4c: {  	_ =	shalt  }
0x4d: {  	_ =	shalt  }
0x4e: {  	_ =	shalt  }
0x4f: {  	_ =	shalt  }
0x50: {  	_ =	shalt  }
0x51: {  	_ =	shalt  }
0x52: {  	_ =	shalt  }
0x53: {  	_ =	shalt  }
0x54: {  	_ =	shalt  }
0x55: {  	_ =	shalt  }
0x56: {  	_ =	shalt  }
0x57: {  	_ =	shalt  }
0x58: {  	_ =	shalt  }
0x59: {  	_ =	shalt  }
0x5a: {  	_ =	shalt  }
0x5b: {  	_ =	shalt  }
0x5c: {  	_ =	shalt  }
0x5d: {  	_ =	shalt  }
0x5e: {  	_ =	shalt  }
0x5f: {  	_ =	shalt  }
0x60: {  	_ =	shalt  }
0x61: {  	_ =	shalt  }
0x62: {  	_ =	shalt  }
0x63: {  	_ =	shalt  }
0x64: {  	_ =	shalt  }
0x65: {  	_ =	shalt  }
0x66: {  	_ =	shalt  }
0x67: {  	_ =	shalt  }
0x68: {  	_ =	shalt  }
0x69: {  	_ =	shalt  }
0x6a: {  	_ =	shalt  }
0x6b: {  	_ =	shalt  }
0x6c: {  	_ =	shalt  }
0x6d: {  	_ =	shalt  }
0x6e: {  	_ =	shalt  }
0x6f: {  	_ =	shalt  }
0x70: {  	_ =	shalt  }
0x71: {  	_ =	shalt  }
0x72: {  	_ =	shalt  }
0x73: {  	_ =	shalt  }
0x74: {  	_ =	shalt  }
0x75: {  	_ =	shalt  }
0x76: {  	_ =	shalt  }
0x77: {  	_ =	shalt  }
0x78: {  	_ =	shalt  }
0x79: {  	_ =	shalt  }
0x7a: {  	_ =	shalt  }
0x7b: {  	_ =	shalt  }
0x7c: {  	_ =	shalt  }
0x7d: {  	_ =	shalt  }
0x7e: {  	_ =	shalt  }
0x7f: {  	_ =	shalt  }
0x80: {  	_ =	shalt  }
0x81: {  	_ =	shalt  }
0x82: {  	_ =	shalt  }
0x83: {  	_ =	shalt  }
0x84: {  	_ =	shalt  }
0x85: {  	_ =	shalt  }
0x86: {  	_ =	shalt  }
0x87: {  	_ =	shalt  }
.Lfunc_end0:
.L_simem_size_0:
called_computation_lowered:
.L_overlay_start_0:
0x88: {  	s2 =	sld [smem:$0x3FD9]  }
0x89: {  	s3 =	sld [smem:$0x3FFE];
	_ =	sdelay $0x1  }
0x8a: {  	s1 =	srdreg.scid  }
0x8b: {  	s0 =	sand.u32 $0x1, s1  }
0x8c: {  	s17 =	sshll.u32 s0, $0xA;
	s2 =	sadd.s32 s3, s2  }
0x8d: {  	s2 =	sadd.s32 s2, s17  }
0x8e: {  	[smem:$0x3FC5] =	sst s2  }
0x8f: {  	_ = 	snop  }
0x90: {  	s2 =	sld [smem:$0x3FC9]  }
0x91: {  	s18 =	sld [smem:$0x3FD0];
	(tm) =	ssettm $0x1  }
0x92: {  	s4 =	sld [smem:$0x3FFB];
	_ =	sdelay $0x3  }
0x93: {  	_ =	strace s4  }
0x94: {  	s4 =	sld [smem:$0x3FFC];
	_ =	sdelay $0x3  }
0x95: {  	_ =	strace s4  }
0x96: {  	s4 =	sld [smem:$0x3FFD];
	_ =	sdelay $0x3  }
0x97: {  	_ =	strace s4  }
0x98: {  	_ =	strace $0x8FFFFFFF  }
0x99: {  	s19 =	sld [smem:$0x3FDB];
	_ =	sdelay $0x1  }
0x9a: {  	s5 =	simm.s32 $_scs_section_size  }
0x9b: {  	s6 =	simm.s32 $_size__tile_overlayer_lowered;
	s7 =	simm.s32 $_tile_overlayer_lowered  }
0x9c: {  	s22 =	simm.s32 $0x1BFF;
	s21 =	sshll.u32 s7, $0x1;
	s4 =	sadd.s32 s5, s19  }
0x9d: {  	s8 =	simm.s32 $0x0;
	s20 =	sshll.u32 s6, $0x1;
	s6 =	sadd.s32 s21, s4  }
0x9e: {  	[timem:s8], [sflag:s22] =	dma.local [hbm:s6], s20  }
0x9f: {  	_ =	swait.ge [sflag:s22], s20  }
0xa0: {  	s5 =	ssub.s32 $0x0, s20;
	[sflag:s22] =	ssyncset.done $0x0  }
0xa1: {  	[sflag:s22] =	ssyncadd.s32 s5;
	_ =	sdelay $0x1  }
0xa2: {  	s23 =	simm.s32 $0x1B8B  }
0xa3: {  	_ =	swait.ge [sflag:s23], $0x1  }
0xa4: {  	[sflag:s23] =	ssyncset.done $0x0  }
0xa5: {  	s25 =	simm.s32 $0x1B8E;
	s24 =	sld [smem:$0x3FFE];
	[sflag:s23] =	ssyncadd.s32 $0xFFFFFFFF  }
0xa6: {  	s26 =	simm.s32 $execute0_lowered;
	[smem:$0x3FD2] =	sst s25  }
0xa7: {  	s6 =	sshll.u32 s26, $0x1;
	_ =	strace $0x80000046;
	[dreg:$0x1] =	wrdreg $0xFFFFFFFF  }
0xa8: {  	s28 =	simm.s32 $_size_execute0_lowered;
	s4 =	sadd.s32 s4, s6;
	[dreg:$0x0] =	wrdreg $0x0  }
0xa9: {  	s6 =	sshll.u32 s28, $0x1;
	[dreg:$0x2] =	wrdreg s4  }
0xaa: {  	[dreg:$0x3] =	wrdreg s6  }
0xab: {  	[dreg:$0x4] =	wrdreg $0xC0  }
0xac: {  	_ =	task [dreg:s8], $0x5FFFF  }
0xad: {  	[dreg:$0x1] =	wrdreg $0xFFFFFFFF  }
0xae: {  	[dreg:$0x0] =	wrdreg $0x60  }
0xaf: {  	[dreg:$0x2] =	wrdreg s2  }
0xb0: {  	[dreg:$0x3] =	wrdreg s24  }
0xb1: {  	[dreg:$0x4] =	wrdreg s18  }
0xb2: {  	[dreg:$0x5] =	wrdreg $0x18E000  }
0xb3: {  	[dreg:$0x6] =	wrdreg $0x9  }
0xb4: {  	_ =	task.clear_ibuf [dreg:s8], $0x7FFFF;
	_ =	strace $0x90000046  }
0xb5: {  	s29 =	simm.s32 $0x9;
	_ =	strace $0x80000048  }
0xb6: {  	_ =	swait.ge [sflag:s29], $0x1  }
0xb7: {  	[sflag:s29] =	ssyncadd.s32 $0xFFFFFFFF  }
0xb8: {  	_ =	strace $0x90000048  }
0xb9: {  	_ =	sfence  }
0xba: {  	s30 =	sld [smem:$0x0];
	_ =	sdelay $0x2  }
0xbb: {  	s31 =	sshll.u32 s1, $0xD;
	s1 =	sshrl.u32 s1, $0x2  }
0xbc: {  	s3 =	sand.u32 $0x4000, s31;
	s1 =	sadd.s32 s1, s30  }
0xbd: {  	s0 =	sor.u32 s3, s0;
	s1 =	sshll.u32 s1, $0x11  }
0xbe: {  	s0 =	sor.u32 s1, s0  }
0xbf: {  	s0 =	sadd.s32 $0x8F2B, s0  }
0xc0: {  	[sflag:s0] =	ssyncadd.remote.s32 $0x1  }
0xc1: {  	_ =	sfence.sel $0xFFFF  }
0xc2: {  	[dreg:$0x0] =	wrdreg $0xFFFFFFFF;
	(pc) =	sbr.abs _section_cstart, $3  }
0xc3: {  	[dreg:$0x1] =	wrdreg $0xFFFFFFFF  }
0xc4: {  	_ =	task.clear_ibuf [dreg:s8], $0x2FFFF;
	_ =	strace $0x9FFFFFFF  }
0xc5: {  	(tm) =	ssettm $0x7FFFFFFF  }
tec
execute0_lowered:
.L_overlay_start_1:
0x0: {  	(tag) =	ssettag $0x1  }
0x1: {  	s0 =	rddreg [dreg:$0x1]  }
0x2: {  	s2 =	rddreg [dreg:$0x2]  }
0x3: {  	s3 =	rddreg [dreg:$0x3]  }
0x4: {  	s5 =	simm.s32 $0x0;
	s11 =	stileid.u32;
	s1 =	srdreg.scid  }
0x5: {  	s17 =	simm.s32 $0x50;
	s18 =	simm.s32 $0xC600;
	s19 =	simm.s32 $0xEE00  }
0x6: {  	s20 =	simm.s32 $0x11600;
	s21 =	simm.s32 $0x13E00;
	s22 =	simm.s32 $0x16600  }
0x7: {  	s23 =	simm.s32 $0x1;
	s24 =	simm.s32 $0x9E00;
	s28 =	simm.s32 $0x4  }
0x8: {  	s29 =	simm.s32 $0x5;
	[smem:$0x7FF] =	sst s5;
	s4 =	smul.u32 $0xC80, s11  }
0x9: {  	s1 =	sand.u32 $0x1, s1;
	s6 =	sshll.u32 s11, $0x1;
	s8 =	smul.u32 $0x19000, s11  }
0xa: {  	s25 =	smul.u32 $0x4E200, s11;
	p0 =	seq.s32 s11, $0xF;
	_ =	strace $0x80000047  }
0xb: {  	s7 =	ssub.s32 $0x2, s1;
	s6 =	sor.u32 s1, s6;
	s1 =	smul.u32 $0x27100, s1  }
0xc: {  	s4 =	sadd.s32 s4, s0;
	s9 =	sshrl.u32 s7, $0x1;
	s6 =	smul.u32 $0x2710, s6  }
0xd: {  	s8 =	sshrl.u32 s8, $0x2;
	s30 =	sadd.s32 s25, s2;
	s25 =	simm.s32 $0x2  }
0xe: {  	s7 =	ssub.s32 s7, s9;
	s10 =	sadd.s32 s8, s3;
	s4 =	sadd.s32 $0x13C00, s4  }
0xf: {  	s26 =	sshrl.u32 s6, $0x3;
	[dreg:$0x5] =	wrdreg s4;
	s31 =	smax.u32 s7, $0x1  }
0x10: {  	s4 =	simm.s32 $0xA;
	s8 =	sadd.s32 s0, s26;
	s0 =	sadd.s32 s1, s30  }
.Ltmp0:
0x11: {  	[dreg:$0x6] =	wrdreg s31;
	s0 =	sadd.s32 $0x1400, s0;
	(pc) =	sbr.rel .LBB2_1-.Ltmp0, $4  }
0x12: {  	s7 =	simm.s32 $0xC;
	[dreg:$0x7] =	wrdreg s0;
	s0 =	sshll.u32 @!p0 s11, $0x6  }
0x13: {  	s26 =	simm.s32 $0x3;
	s1 =	simm.s32 $0xB;
	s0 =	sor.u32 @!p0 $0x1C0D, s0  }
0x14: {  	s9 =	sadd.s32 $0x9E00, s8;
	[dreg:$0x8] =	wrdreg s0;
	s0 =	sshrl.u32 @!p0 s10, $0x3  }
0x15: {  	s10 =	simm.s32 $0x0;
	[dreg:$0x9] =	wrdreg s0;
	s0 =	simm.s32 $0x9  }
.LBB2_7:
0x16: {  	s11 =	simm.s32 $0x7  }
0x17: {  	_ =	swait.ge [sflag:s11], $0x2800  }
0x18: {  	[sflag:s11] =	ssyncset.done $0x0  }
0x19: {  	s30 =	simm.s32 $0x8;
	[sflag:s11] =	ssyncadd.s32 $0xFFFFD800  }
0x1a: {  	_ =	swait.ge [sflag:s30], $0x2800  }
0x1b: {  	[sflag:s30] =	ssyncset.done $0x0  }
0x1c: {  	[sflag:s30] =	ssyncadd.s32 $0xFFFFD800  }
0x1d: {  	_ =	swait.ge [sflag:s0], $0x2800  }
0x1e: {  	[sflag:s0] =	ssyncset.done $0x0  }
0x1f: {  	[sflag:s0] =	ssyncadd.s32 $0xFFFFD800  }
0x20: {  	_ =	swait.ge [sflag:s4], $0x2800  }
0x21: {  	[sflag:s4] =	ssyncset.done $0x0  }
0x22: {  	[sflag:s4] =	ssyncadd.s32 $0xFFFFD800  }
0x23: {  	_ =	swait.ge [sflag:s1], $0x2800  }
0x24: {  	[sflag:s1] =	ssyncset.done $0x0  }
0x25: {  	[sflag:s1] =	ssyncadd.s32 $0xFFFFD800  }
0x26: {  	_ =	swait.ge [sflag:s7], $0x2800  }
0x27: {  	s10 =	sadd.s32 $0x1, s10;
	s31 =	rddreg [dreg:$0x6]  }
0x28: {  	p1 =	sne.s32 s10, s31  }
.Ltmp1:
0x29: {  	_ = 	snop;
	(pc) =	sbr.rel @!p1 .LBB2_8-.Ltmp1, $3  }
0x2a: {  	_ =	sdelay $0x1  }
0x2b: {  	[sflag:s7] =	ssyncset.done $0x0  }
0x2c: {  	[sflag:s7] =	ssyncadd.s32 $0xFFFFD800  }
.LBB2_1:
0x2d: {  	s11 =	simm.s32 @p0 $0x0;
	s13 =	rddreg [dreg:$0x0]  }
0x2e: {  	[tilespmem:s11], [sflag:$0xE] =	stream.linear.gather @p0 [hbm4b:s13+s11], $0x2780, $0x38;
	[tilespmem:$0x1EBC0] =	vst v63  }
0x2f: {  	s12 =	simm.s32 @p0 $0x2780  }
0x30: {  	[tilespmem:s12], [sflag:$0xF] =	stream.linear.gather @p0 [hbm4b:s9+s11], $0x2710, $0x38;
	[tilespmem:$0x1EBC0] =	vst v63  }
0x31: {  	s14 =	rddreg [dreg:$0x9];
	s12 =	simm.s32 @p0 $0x4F00  }
0x32: {  	[tilespmem:s12], [sflag:$0x10] =	stream.linear.gather @p0 [hbm4b:s8+s11], $0x2710, $0x38;
	[tilespmem:$0x1EBC0] =	vst v63  }
0x33: {  	s11 =	rddreg [dreg:$0x5]  }
0x34: {  	s12 =	rddreg [dreg:$0x8]  }
0x35: {  	[spmem:s14], [sflag:s12] =	dma.local @!p0 [hbm:s11], $0xC80  }
0x36: {  	s11 =	simm.s32 @!p0 $0x0  }
0x37: {  	[tilespmem:s11], [sflag:$0xE] =	stream.linear.gather @!p0 [hbm4b:s13+s11], $0x2780, $0x38;
	[tilespmem:$0x1EBC0] =	vst v63  }
0x38: {  	s12 =	simm.s32 @!p0 $0x2780  }
0x39: {  	[tilespmem:s12], [sflag:$0xF] =	stream.linear.gather @!p0 [hbm4b:s9+s11], $0x2710, $0x38;
	[tilespmem:$0x1EBC0] =	vst v63  }
0x3a: {  	s12 =	simm.s32 @!p0 $0x4F00  }
0x3b: {  	[tilespmem:s12], [sflag:$0x10] =	stream.linear.gather @!p0 [hbm4b:s8+s11], $0x2710, $0x38;
	[tilespmem:$0x1EBC0] =	vst v63  }
0x3c: {  	s11 =	simm.s32 @!p0 $0xD  }
0x3d: {  	_ =	swait.ge @!p0 [sflag:s11], $0xC80  }
0x3e: {  	[sflag:s11] =	ssyncset.done @!p0 $0x0  }
0x3f: {  	s16 =	simm.s32 $0xE;
	[sflag:s11] =	ssyncadd.s32 @!p0 $0xFFFFF380  }
0x40: {  	_ =	swait.ge [sflag:s16], $0x2780  }
0x41: {  	[sflag:s16] =	ssyncset.done $0x0  }
0x42: {  	s30 =	simm.s32 $0xF;
	[sflag:s16] =	ssyncadd.s32 $0xFFFFD880  }
0x43: {  	_ =	swait.ge [sflag:s30], $0x2710  }
0x44: {  	[sflag:s30] =	ssyncset.done $0x0  }
0x45: {  	s31 =	simm.s32 $0x10;
	[sflag:s30] =	ssyncadd.s32 $0xFFFFD8F0  }
.Ltmp2:
0x46: {  	_ =	swait.ge [sflag:s31], $0x2710;
	(pc) =	sbr.rel .LBB2_2-.Ltmp2, $4  }
0x47: {  	[sflag:s31] =	ssyncset.done $0x0  }
0x48: {  	[sflag:s31] =	ssyncadd.s32 $0xFFFFD8F0  }
0x49: {  	s15 =	simm.s32 $0x50;
	[bflag:$0x0] =	sbarrier.arrive $0xFFFF  }
0x4a: {  	s14 =	simm.s32 $0x0;
	s13 =	simm.s32 $0x5;
	s11 =	rddreg [dreg:$0x7]  }
.LBB2_3:
0x4b: {  	[tilespmem:s21], [sflag:$0x5] =	stream.indirect.gather [spmem:s3], $0x80, s30, s17, $0xb8;
	[tilespmem:$0x1EBC0] =	vst v63  }
0x4c: {  	s16 =	simm.s32 $0x5  }
.LBB2_5:
0x4d: {  	s30 =	smul.u32 $0x50, s16;
	_ =	sdelay $0x1  }
0x4e: {  	v0 =	vld [tilespmem:s30+$0x2780]  }
0x4f: {  	v1 =	vld [tilespmem:s30+$0x4F00];
	_ =	sdelay $0x6  }
0x50: {  	v0 =	vld.idx.msk [tilespmem:v0+s5+$0x0], $0xffff  }
0x51: {  	v1 =	vld.idx.msk [tilespmem:v1+s5+$0x0], $0xffff;
	_ =	sdelay $0x3  }
0x52: {  	v2 =	vld [tilespmem:s30+$0x2790]  }
0x53: {  	v3 =	vld [tilespmem:s30+$0x4F10];
	v0 =	vadd.s32 v0, v1  }
0x54: {  	v4 =	vadd.s32 $0x1, v0  }
0x55: {  	v0 =	vmul.u32 v0, v4;
	_ =	sdelay $0x1  }
0x56: {  	v0 =	vshra.s32 v0, $0x1  }
0x57: {  	v0 =	vadd.s32 v1, v0  }
0x58: {  	[tilespmem:s30+$0x7680] =	vst v0  }
0x59: {  	v0 =	vld.idx.msk [tilespmem:v2+s5+$0x0], $0xffff  }
0x5a: {  	v50 =	vld.idx.msk [tilespmem:v3+s5+$0x0], $0xffff;
	_ =	sdelay $0x3  }
0x5b: {  	v51 =	vld [tilespmem:s30+$0x27A0]  }
0x5c: {  	v52 =	vld [tilespmem:s30+$0x4F20];
	v0 =	vadd.s32 v0, v50  }
0x5d: {  	v53 =	vadd.s32 $0x1, v0  }
0x5e: {  	v0 =	vmul.u32 v0, v53;
	_ =	sdelay $0x1  }
0x5f: {  	v0 =	vshra.s32 v0, $0x1  }
0x60: {  	v0 =	vadd.s32 v50, v0  }
0x61: {  	[tilespmem:s30+$0x7690] =	vst v0  }
0x62: {  	v0 =	vld.idx.msk [tilespmem:v51+s5+$0x0], $0xffff  }
0x63: {  	v54 =	vld.idx.msk [tilespmem:v52+s5+$0x0], $0xffff;
	_ =	sdelay $0x3  }
0x64: {  	v55 =	vld [tilespmem:s30+$0x27B0]  }
0x65: {  	v56 =	vld [tilespmem:s30+$0x4F30];
	v0 =	vadd.s32 v0, v54  }
0x66: {  	v57 =	vadd.s32 $0x1, v0  }
0x67: {  	v0 =	vmul.u32 v0, v57;
	_ =	sdelay $0x1  }
0x68: {  	v0 =	vshra.s32 v0, $0x1  }
0x69: {  	v0 =	vadd.s32 v54, v0  }
0x6a: {  	[tilespmem:s30+$0x76A0] =	vst v0  }
0x6b: {  	v0 =	vld.idx.msk [tilespmem:v55+s5+$0x0], $0xffff  }
0x6c: {  	v58 =	vld.idx.msk [tilespmem:v56+s5+$0x0], $0xffff;
	_ =	sdelay $0x3  }
0x6d: {  	v59 =	vld [tilespmem:s30+$0x27C0]  }
0x6e: {  	v60 =	vld [tilespmem:s30+$0x4F40];
	v0 =	vadd.s32 v0, v58  }
0x6f: {  	v61 =	vadd.s32 $0x1, v0  }
0x70: {  	v0 =	vmul.u32 v0, v61;
	_ =	sdelay $0x1  }
0x71: {  	v0 =	vshra.s32 v0, $0x1  }
0x72: {  	v0 =	vadd.s32 v58, v0  }
0x73: {  	[tilespmem:s30+$0x76B0] =	vst v0  }
0x74: {  	v0 =	vld.idx.msk [tilespmem:v59+s5+$0x0], $0xffff  }
0x75: {  	v62 =	vld.idx.msk [tilespmem:v60+s5+$0x0], $0xffff;
	_ =	sdelay $0x4  }
0x76: {  	v0 =	vadd.s32 v0, v62  }
0x77: {  	v63 =	vadd.s32 $0x1, v0  }
0x78: {  	v0 =	vmul.u32 v0, v63;
	_ =	sdelay $0x1  }
0x79: {  	v0 =	vshra.s32 v0, $0x1  }
0x7a: {  	v0 =	vadd.s32 v62, v0  }
0x7b: {  	s31 =	simm.s32 @!p1 $0xC;
	[tilespmem:s30+$0x76C0] =	vst v0  }
0x7c: {  	_ =	swait.ge @!p1 [sflag:s31], $0x2800  }
0x7d: {  	[sflag:s31] =	ssyncset.done @!p1 $0x0  }
0x7e: {  	p2 =	por $0x0, $0x0;
	s30 =	sadd.s32 $0x7680, s30;
	[sflag:s31] =	ssyncadd.s32 @!p1 $0xFFFFD800  }
0x7f: {  	[tilespmem:s22], [sflag:$0x6] =	stream.indirect.gather [spmem:s3], $0x80, s30, s17, $0xb8;
	[tilespmem:$0x1EBC0] =	vst v63  }
.LBB2_6:
0x80: {  	_ =	swait.ge [sflag:s23], $0x2800  }
0x81: {  	[sflag:s23] =	ssyncset.done $0x0  }
0x82: {  	s30 =	sadd.s32 $0xFFFFEC00, s11;
	[sflag:s23] =	ssyncadd.s32 $0xFFFFD800  }
0x83: {  	[hbm4b:s30+s5] =	stream.linear.scatter [tilespmem:s24], [sflag:$0x7], $0x2800, $0x38;
	[tilespmem:$0x1EBC0] =	vst v63  }
0x84: {  	s12 =	sadd.s32 s6, s12;
	_ =	swait.ge [sflag:s25], $0x2800  }
0x85: {  	s12 =	sshll.u32 s12, $0x4;
	[sflag:s25] =	ssyncset.done $0x0  }
0x86: {  	s12 =	sadd.s32 s2, s12;
	[sflag:s25] =	ssyncadd.s32 $0xFFFFD800  }
0x87: {  	[hbm4b:s12+s5] =	stream.linear.scatter [tilespmem:s18], [sflag:$0x8], $0x2800, $0x38;
	[tilespmem:$0x1EBC0] =	vst v63  }
0x88: {  	_ =	swait.ge [sflag:s26], $0x2800  }
0x89: {  	[sflag:s26] =	ssyncset.done $0x0  }
0x8a: {  	s30 =	sadd.s32 $0xFFFFF600, s11;
	[sflag:s26] =	ssyncadd.s32 $0xFFFFD800  }
0x8b: {  	[hbm4b:s30+s5] =	stream.linear.scatter [tilespmem:s19], [sflag:$0x9], $0x2800, $0x38;
	[tilespmem:$0x1EBC0] =	vst v63  }
0x8c: {  	_ =	swait.ge [sflag:s28], $0x2800  }
0x8d: {  	[sflag:s28] =	ssyncset.done $0x0  }
0x8e: {  	s31 =	sadd.s32 $0xFFFFFB00, s11;
	[sflag:s28] =	ssyncadd.s32 $0xFFFFD800  }
0x8f: {  	[hbm4b:s31+s5] =	stream.linear.scatter [tilespmem:s20], [sflag:$0xA], $0x2800, $0x38;
	[tilespmem:$0x1EBC0] =	vst v63  }
0x90: {  	_ =	swait.ge [sflag:s29], $0x2800  }
0x91: {  	s16 =	smul.u32 @!p2 $0x50, s16;
	s14 =	sadd.s32 $0x780, s14;
	[sflag:s29] =	ssyncset.done $0x0  }
0x92: {  	p1 =	sne.s32 s14, $0x9D80;
	s12 =	simm.s32 @!p2 $0x6;
	[sflag:s29] =	ssyncadd.s32 $0xFFFFD800  }
0x93: {  	[hbm4b:s11+s5] =	stream.linear.scatter [tilespmem:s21], [sflag:$0xB], $0x2800, $0x38;
	[tilespmem:$0x1EBC0] =	vst v63  }
.Ltmp3:
0x94: {  	s13 =	sadd.s32 $0x6, s13;
	_ =	swait.ge @!p2 [sflag:s12], $0x2800;
	(pc) =	sbr.rel @!p1 .LBB2_7-.Ltmp3, $4  }
0x95: {  	s15 =	sadd.s32 $0x1E0, s15;
	s16 =	sadd.s32 @!p2 s6, s16;
	[sflag:s12] =	ssyncset.done @!p2 $0x0  }
0x96: {  	s30 =	simm.s32 @!p2 $0x16600;
	[sflag:s12] =	ssyncadd.s32 @!p2 $0xFFFFD800;
	s12 =	sshll.u32 @!p2 s16, $0x4  }
0x97: {  	s11 =	sadd.s32 $0x1E00, s11;
	s16 =	simm.s32 @!p2 $0x0;
	s12 =	sadd.s32 @!p2 s2, s12  }
0x98: {  	[hbm4b:s12+s16] =	stream.linear.scatter @!p2 [tilespmem:s30], [sflag:$0xC], $0x2800, $0x38;
	[tilespmem:$0x1EBC0] =	vst v63  }
.LBB2_2:
0x99: {  	s16 =	sshra.s32 s14, $0x2  }
0x9a: {  	v0 =	vld [tilespmem:s16+$0x2780]  }
0x9b: {  	v1 =	vld [tilespmem:s16+$0x4F00];
	_ =	sdelay $0x6  }
0x9c: {  	v0 =	vld.idx.msk [tilespmem:v0+s5+$0x0], $0xffff  }
0x9d: {  	v1 =	vld.idx.msk [tilespmem:v1+s5+$0x0], $0xffff;
	_ =	sdelay $0x3  }
0x9e: {  	v2 =	vld [tilespmem:s16+$0x2790]  }
0x9f: {  	v3 =	vld [tilespmem:s16+$0x4F10];
	v0 =	vadd.s32 v0, v1  }
0xa0: {  	v4 =	vadd.s32 $0x1, v0  }
0xa1: {  	v0 =	vmul.u32 v0, v4;
	_ =	sdelay $0x1  }
0xa2: {  	v0 =	vshra.s32 v0, $0x1  }
0xa3: {  	v0 =	vadd.s32 v1, v0  }
0xa4: {  	[tilespmem:s16+$0x7680] =	vst v0  }
0xa5: {  	v0 =	vld.idx.msk [tilespmem:v2+s5+$0x0], $0xffff  }
0xa6: {  	v38 =	vld.idx.msk [tilespmem:v3+s5+$0x0], $0xffff;
	_ =	sdelay $0x3  }
0xa7: {  	v39 =	vld [tilespmem:s16+$0x27A0]  }
0xa8: {  	v40 =	vld [tilespmem:s16+$0x4F20];
	v0 =	vadd.s32 v0, v38  }
0xa9: {  	v41 =	vadd.s32 $0x1, v0  }
0xaa: {  	v0 =	vmul.u32 v0, v41;
	_ =	sdelay $0x1  }
0xab: {  	v0 =	vshra.s32 v0, $0x1  }
0xac: {  	v0 =	vadd.s32 v38, v0  }
0xad: {  	[tilespmem:s16+$0x7690] =	vst v0  }
0xae: {  	v0 =	vld.idx.msk [tilespmem:v39+s5+$0x0], $0xffff  }
0xaf: {  	v42 =	vld.idx.msk [tilespmem:v40+s5+$0x0], $0xffff;
	_ =	sdelay $0x3  }
0xb0: {  	v43 =	vld [tilespmem:s16+$0x27B0]  }
0xb1: {  	v44 =	vld [tilespmem:s16+$0x4F30];
	v0 =	vadd.s32 v0, v42  }
0xb2: {  	v45 =	vadd.s32 $0x1, v0  }
0xb3: {  	v0 =	vmul.u32 v0, v45;
	_ =	sdelay $0x1  }
0xb4: {  	v0 =	vshra.s32 v0, $0x1  }
0xb5: {  	v0 =	vadd.s32 v42, v0  }
0xb6: {  	[tilespmem:s16+$0x76A0] =	vst v0  }
0xb7: {  	v0 =	vld.idx.msk [tilespmem:v43+s5+$0x0], $0xffff  }
0xb8: {  	v46 =	vld.idx.msk [tilespmem:v44+s5+$0x0], $0xffff;
	_ =	sdelay $0x3  }
0xb9: {  	v47 =	vld [tilespmem:s16+$0x27C0]  }
0xba: {  	v48 =	vld [tilespmem:s16+$0x4F40];
	v0 =	vadd.s32 v0, v46  }
0xbb: {  	v49 =	vadd.s32 $0x1, v0  }
0xbc: {  	v0 =	vmul.u32 v0, v49;
	_ =	sdelay $0x1  }
0xbd: {  	v0 =	vshra.s32 v0, $0x1  }
0xbe: {  	v0 =	vadd.s32 v46, v0  }
0xbf: {  	[tilespmem:s16+$0x76B0] =	vst v0  }
0xc0: {  	v0 =	vld.idx.msk [tilespmem:v47+s5+$0x0], $0xffff  }
0xc1: {  	v50 =	vld.idx.msk [tilespmem:v48+s5+$0x0], $0xffff;
	_ =	sdelay $0x4  }
0xc2: {  	v0 =	vadd.s32 v0, v50  }
0xc3: {  	v51 =	vadd.s32 $0x1, v0  }
0xc4: {  	v0 =	vmul.u32 v0, v51;
	_ =	sdelay $0x1  }
0xc5: {  	v0 =	vshra.s32 v0, $0x1  }
0xc6: {  	p2 =	sne.s32 s14, $0x0;
	v0 =	vadd.s32 v50, v0  }
0xc7: {  	s12 =	simm.s32 @p2 $0x7;
	[tilespmem:s16+$0x76C0] =	vst v0  }
0xc8: {  	_ =	swait.ge @p2 [sflag:s12], $0x2800  }
0xc9: {  	s30 =	sadd.s32 $0x7680, s16;
	[sflag:s12] =	ssyncset.done @p2 $0x0  }
0xca: {  	s31 =	simm.s32 @p2 $0x9E00;
	[sflag:s12] =	ssyncadd.s32 @p2 $0xFFFFD800;
	s12 =	simm.s32 @p2 $0x50  }
0xcb: {  	[tilespmem:s31], [sflag:$0x1] =	stream.indirect.gather @p2 [spmem:s3], $0x80, s30, s12, $0xb8;
	[tilespmem:$0x1EBC0] =	vst v63  }
0xcc: {  	s12 =	simm.s32 @!p2 $0x50;
	s31 =	simm.s32 @!p2 $0x9E00  }
0xcd: {  	[tilespmem:s31], [sflag:$0x1] =	stream.indirect.gather @!p2 [spmem:s3], $0x80, s30, s12, $0xb8;
	[tilespmem:$0x1EBC0] =	vst v63  }
0xce: {  	s12 =	smov.u32 s15  }
0xcf: {  	s12 =	simm.s32 @!p2 $0x50  }
0xd0: {  	v52 =	vld [tilespmem:s12+$0x2780]  }
0xd1: {  	v53 =	vld [tilespmem:s12+$0x4F00];
	_ =	sdelay $0x6  }
0xd2: {  	v0 =	vld.idx.msk [tilespmem:v52+s5+$0x0], $0xffff  }
0xd3: {  	v1 =	vld.idx.msk [tilespmem:v53+s5+$0x0], $0xffff;
	_ =	sdelay $0x3  }
0xd4: {  	v55 =	vld [tilespmem:s12+$0x2790]  }
0xd5: {  	v56 =	vld [tilespmem:s12+$0x4F10];
	v0 =	vadd.s32 v0, v1  }
0xd6: {  	v54 =	vadd.s32 $0x1, v0  }
0xd7: {  	v0 =	vmul.u32 v0, v54;
	_ =	sdelay $0x1  }
0xd8: {  	v0 =	vshra.s32 v0, $0x1  }
0xd9: {  	v0 =	vadd.s32 v1, v0  }
0xda: {  	[tilespmem:s12+$0x7680] =	vst v0  }
0xdb: {  	v0 =	vld.idx.msk [tilespmem:v55+s5+$0x0], $0xffff  }
0xdc: {  	v1 =	vld.idx.msk [tilespmem:v56+s5+$0x0], $0xffff;
	_ =	sdelay $0x3  }
0xdd: {  	v58 =	vld [tilespmem:s12+$0x27A0]  }
0xde: {  	v59 =	vld [tilespmem:s12+$0x4F20];
	v0 =	vadd.s32 v0, v1  }
0xdf: {  	v57 =	vadd.s32 $0x1, v0  }
0xe0: {  	v0 =	vmul.u32 v0, v57;
	_ =	sdelay $0x1  }
0xe1: {  	v0 =	vshra.s32 v0, $0x1  }
0xe2: {  	v0 =	vadd.s32 v1, v0  }
0xe3: {  	[tilespmem:s12+$0x7690] =	vst v0  }
0xe4: {  	v0 =	vld.idx.msk [tilespmem:v58+s5+$0x0], $0xffff  }
0xe5: {  	v1 =	vld.idx.msk [tilespmem:v59+s5+$0x0], $0xffff;
	_ =	sdelay $0x3  }
0xe6: {  	v61 =	vld [tilespmem:s12+$0x27B0]  }
0xe7: {  	v62 =	vld [tilespmem:s12+$0x4F30];
	v0 =	vadd.s32 v0, v1  }
0xe8: {  	v60 =	vadd.s32 $0x1, v0  }
0xe9: {  	v0 =	vmul.u32 v0, v60;
	_ =	sdelay $0x1  }
0xea: {  	v0 =	vshra.s32 v0, $0x1  }
0xeb: {  	v0 =	vadd.s32 v1, v0  }
0xec: {  	[tilespmem:s12+$0x76A0] =	vst v0  }
0xed: {  	v0 =	vld.idx.msk [tilespmem:v61+s5+$0x0], $0xffff  }
0xee: {  	v1 =	vld.idx.msk [tilespmem:v62+s5+$0x0], $0xffff;
	_ =	sdelay $0x3  }
0xef: {  	v4 =	vld [tilespmem:s12+$0x27C0]  }
0xf0: {  	v5 =	vld [tilespmem:s12+$0x4F40];
	v0 =	vadd.s32 v0, v1  }
0xf1: {  	v63 =	vadd.s32 $0x1, v0  }
0xf2: {  	v0 =	vmul.u32 v0, v63;
	_ =	sdelay $0x1  }
0xf3: {  	v0 =	vshra.s32 v0, $0x1  }
0xf4: {  	v0 =	vadd.s32 v1, v0  }
0xf5: {  	[tilespmem:s12+$0x76B0] =	vst v0  }
0xf6: {  	v0 =	vld.idx.msk [tilespmem:v4+s5+$0x0], $0xffff  }
0xf7: {  	v1 =	vld.idx.msk [tilespmem:v5+s5+$0x0], $0xffff;
	_ =	sdelay $0x4  }
0xf8: {  	v0 =	vadd.s32 v0, v1  }
0xf9: {  	v6 =	vadd.s32 $0x1, v0  }
0xfa: {  	v0 =	vmul.u32 v0, v6;
	_ =	sdelay $0x1  }
0xfb: {  	v0 =	vshra.s32 v0, $0x1  }
0xfc: {  	p1 =	seq.s32 s14, $0x0;
	v0 =	vadd.s32 v1, v0  }
0xfd: {  	s30 =	simm.s32 @!p1 $0x8;
	[tilespmem:s12+$0x76C0] =	vst v0  }
0xfe: {  	_ =	swait.ge @!p1 [sflag:s30], $0x2800  }
0xff: {  	[sflag:s30] =	ssyncset.done @!p1 $0x0  }
0x100: {  	s31 =	sadd.s32 $0x7680, s12;
	[sflag:s30] =	ssyncadd.s32 @!p1 $0xFFFFD800  }
0x101: {  	[tilespmem:s18], [sflag:$0x2] =	stream.indirect.gather [spmem:s3], $0x80, s31, s17, $0xb8;
	[tilespmem:$0x1EBC0] =	vst v63  }
0x102: {  	v7 =	vld [tilespmem:s16+$0x2820]  }
0x103: {  	v8 =	vld [tilespmem:s16+$0x4FA0];
	_ =	sdelay $0x6  }
0x104: {  	v0 =	vld.idx.msk [tilespmem:v7+s5+$0x0], $0xffff  }
0x105: {  	v1 =	vld.idx.msk [tilespmem:v8+s5+$0x0], $0xffff;
	_ =	sdelay $0x3  }
0x106: {  	v9 =	vld [tilespmem:s16+$0x2830]  }
0x107: {  	v10 =	vld [tilespmem:s16+$0x4FB0];
	v0 =	vadd.s32 v0, v1  }
0x108: {  	v11 =	vadd.s32 $0x1, v0  }
0x109: {  	v0 =	vmul.u32 v0, v11;
	_ =	sdelay $0x1  }
0x10a: {  	v0 =	vshra.s32 v0, $0x1  }
0x10b: {  	v0 =	vadd.s32 v1, v0  }
0x10c: {  	[tilespmem:s16+$0x7720] =	vst v0  }
0x10d: {  	v0 =	vld.idx.msk [tilespmem:v9+s5+$0x0], $0xffff  }
0x10e: {  	v12 =	vld.idx.msk [tilespmem:v10+s5+$0x0], $0xffff;
	_ =	sdelay $0x3  }
0x10f: {  	v13 =	vld [tilespmem:s16+$0x2840]  }
0x110: {  	v14 =	vld [tilespmem:s16+$0x4FC0];
	v0 =	vadd.s32 v0, v12  }
0x111: {  	v15 =	vadd.s32 $0x1, v0  }
0x112: {  	v0 =	vmul.u32 v0, v15;
	_ =	sdelay $0x1  }
0x113: {  	v0 =	vshra.s32 v0, $0x1  }
0x114: {  	v0 =	vadd.s32 v12, v0  }
0x115: {  	[tilespmem:s16+$0x7730] =	vst v0  }
0x116: {  	v0 =	vld.idx.msk [tilespmem:v13+s5+$0x0], $0xffff  }
0x117: {  	v16 =	vld.idx.msk [tilespmem:v14+s5+$0x0], $0xffff;
	_ =	sdelay $0x3  }
0x118: {  	v17 =	vld [tilespmem:s16+$0x2850]  }
0x119: {  	v18 =	vld [tilespmem:s16+$0x4FD0];
	v0 =	vadd.s32 v0, v16  }
0x11a: {  	v19 =	vadd.s32 $0x1, v0  }
0x11b: {  	v0 =	vmul.u32 v0, v19;
	_ =	sdelay $0x1  }
0x11c: {  	v0 =	vshra.s32 v0, $0x1  }
0x11d: {  	v0 =	vadd.s32 v16, v0  }
0x11e: {  	[tilespmem:s16+$0x7740] =	vst v0  }
0x11f: {  	v0 =	vld.idx.msk [tilespmem:v17+s5+$0x0], $0xffff  }
0x120: {  	v20 =	vld.idx.msk [tilespmem:v18+s5+$0x0], $0xffff;
	_ =	sdelay $0x3  }
0x121: {  	v21 =	vld [tilespmem:s16+$0x2860]  }
0x122: {  	v22 =	vld [tilespmem:s16+$0x4FE0];
	v0 =	vadd.s32 v0, v20  }
0x123: {  	v23 =	vadd.s32 $0x1, v0  }
0x124: {  	v0 =	vmul.u32 v0, v23;
	_ =	sdelay $0x1  }
0x125: {  	v0 =	vshra.s32 v0, $0x1  }
0x126: {  	v0 =	vadd.s32 v20, v0  }
0x127: {  	[tilespmem:s16+$0x7750] =	vst v0  }
0x128: {  	v0 =	vld.idx.msk [tilespmem:v21+s5+$0x0], $0xffff  }
0x129: {  	v24 =	vld.idx.msk [tilespmem:v22+s5+$0x0], $0xffff;
	_ =	sdelay $0x4  }
0x12a: {  	v0 =	vadd.s32 v0, v24  }
0x12b: {  	v25 =	vadd.s32 $0x1, v0  }
0x12c: {  	v0 =	vmul.u32 v0, v25;
	_ =	sdelay $0x1  }
0x12d: {  	v0 =	vshra.s32 v0, $0x1  }
0x12e: {  	v0 =	vadd.s32 v24, v0  }
0x12f: {  	s30 =	simm.s32 @!p1 $0x9;
	[tilespmem:s16+$0x7760] =	vst v0  }
0x130: {  	_ =	swait.ge @!p1 [sflag:s30], $0x2800  }
0x131: {  	[sflag:s30] =	ssyncset.done @!p1 $0x0  }
0x132: {  	s31 =	sadd.s32 $0x7720, s16;
	[sflag:s30] =	ssyncadd.s32 @!p1 $0xFFFFD800  }
0x133: {  	[tilespmem:s19], [sflag:$0x3] =	stream.indirect.gather [spmem:s3], $0x80, s31, s17, $0xb8;
	[tilespmem:$0x1EBC0] =	vst v63  }
0x134: {  	v26 =	vld [tilespmem:s16+$0x2870]  }
0x135: {  	v27 =	vld [tilespmem:s16+$0x4FF0];
	_ =	sdelay $0x6  }
0x136: {  	v0 =	vld.idx.msk [tilespmem:v26+s5+$0x0], $0xffff  }
0x137: {  	v1 =	vld.idx.msk [tilespmem:v27+s5+$0x0], $0xffff;
	_ =	sdelay $0x3  }
0x138: {  	v28 =	vld [tilespmem:s16+$0x2880]  }
0x139: {  	v29 =	vld [tilespmem:s16+$0x5000];
	v0 =	vadd.s32 v0, v1  }
0x13a: {  	v30 =	vadd.s32 $0x1, v0  }
0x13b: {  	v0 =	vmul.u32 v0, v30;
	_ =	sdelay $0x1  }
0x13c: {  	v0 =	vshra.s32 v0, $0x1  }
0x13d: {  	v0 =	vadd.s32 v1, v0  }
0x13e: {  	[tilespmem:s16+$0x7770] =	vst v0  }
0x13f: {  	v0 =	vld.idx.msk [tilespmem:v28+s5+$0x0], $0xffff  }
0x140: {  	v31 =	vld.idx.msk [tilespmem:v29+s5+$0x0], $0xffff;
	_ =	sdelay $0x3  }
0x141: {  	v32 =	vld [tilespmem:s16+$0x2890]  }
0x142: {  	v33 =	vld [tilespmem:s16+$0x5010];
	v0 =	vadd.s32 v0, v31  }
0x143: {  	v34 =	vadd.s32 $0x1, v0  }
0x144: {  	v0 =	vmul.u32 v0, v34;
	_ =	sdelay $0x1  }
0x145: {  	v0 =	vshra.s32 v0, $0x1  }
0x146: {  	v0 =	vadd.s32 v31, v0  }
0x147: {  	[tilespmem:s16+$0x7780] =	vst v0  }
0x148: {  	v0 =	vld.idx.msk [tilespmem:v32+s5+$0x0], $0xffff  }
0x149: {  	v35 =	vld.idx.msk [tilespmem:v33+s5+$0x0], $0xffff;
	_ =	sdelay $0x3  }
0x14a: {  	v36 =	vld [tilespmem:s16+$0x28A0]  }
0x14b: {  	v37 =	vld [tilespmem:s16+$0x5020];
	v0 =	vadd.s32 v0, v35  }
0x14c: {  	v38 =	vadd.s32 $0x1, v0  }
0x14d: {  	v0 =	vmul.u32 v0, v38;
	_ =	sdelay $0x1  }
0x14e: {  	v0 =	vshra.s32 v0, $0x1  }
0x14f: {  	v0 =	vadd.s32 v35, v0  }
0x150: {  	[tilespmem:s16+$0x7790] =	vst v0  }
0x151: {  	v0 =	vld.idx.msk [tilespmem:v36+s5+$0x0], $0xffff  }
0x152: {  	v39 =	vld.idx.msk [tilespmem:v37+s5+$0x0], $0xffff;
	_ =	sdelay $0x3  }
0x153: {  	v40 =	vld [tilespmem:s16+$0x28B0]  }
0x154: {  	v41 =	vld [tilespmem:s16+$0x5030];
	v0 =	vadd.s32 v0, v39  }
0x155: {  	v42 =	vadd.s32 $0x1, v0  }
0x156: {  	v0 =	vmul.u32 v0, v42;
	_ =	sdelay $0x1  }
0x157: {  	v0 =	vshra.s32 v0, $0x1  }
0x158: {  	v0 =	vadd.s32 v39, v0  }
0x159: {  	[tilespmem:s16+$0x77A0] =	vst v0  }
0x15a: {  	v0 =	vld.idx.msk [tilespmem:v40+s5+$0x0], $0xffff  }
0x15b: {  	v43 =	vld.idx.msk [tilespmem:v41+s5+$0x0], $0xffff;
	_ =	sdelay $0x4  }
0x15c: {  	v0 =	vadd.s32 v0, v43  }
0x15d: {  	v44 =	vadd.s32 $0x1, v0  }
0x15e: {  	v0 =	vmul.u32 v0, v44;
	_ =	sdelay $0x1  }
0x15f: {  	v0 =	vshra.s32 v0, $0x1  }
0x160: {  	v0 =	vadd.s32 v43, v0  }
0x161: {  	s30 =	simm.s32 @!p1 $0xA;
	[tilespmem:s16+$0x77B0] =	vst v0  }
0x162: {  	_ =	swait.ge @!p1 [sflag:s30], $0x2800  }
0x163: {  	[sflag:s30] =	ssyncset.done @!p1 $0x0  }
0x164: {  	s31 =	sadd.s32 $0x7770, s16;
	[sflag:s30] =	ssyncadd.s32 @!p1 $0xFFFFD800  }
0x165: {  	[tilespmem:s20], [sflag:$0x4] =	stream.indirect.gather [spmem:s3], $0x80, s31, s17, $0xb8;
	[tilespmem:$0x1EBC0] =	vst v63  }
0x166: {  	v45 =	vld [tilespmem:s16+$0x28C0]  }
0x167: {  	v46 =	vld [tilespmem:s16+$0x5040];
	_ =	sdelay $0x6  }
0x168: {  	v0 =	vld.idx.msk [tilespmem:v45+s5+$0x0], $0xffff  }
0x169: {  	v1 =	vld.idx.msk [tilespmem:v46+s5+$0x0], $0xffff;
	_ =	sdelay $0x3  }
0x16a: {  	v47 =	vld [tilespmem:s16+$0x28D0]  }
0x16b: {  	v48 =	vld [tilespmem:s16+$0x5050];
	v0 =	vadd.s32 v0, v1  }
0x16c: {  	v49 =	vadd.s32 $0x1, v0  }
0x16d: {  	v0 =	vmul.u32 v0, v49;
	_ =	sdelay $0x1  }
0x16e: {  	v0 =	vshra.s32 v0, $0x1  }
0x16f: {  	v0 =	vadd.s32 v1, v0  }
0x170: {  	[tilespmem:s16+$0x77C0] =	vst v0  }
0x171: {  	v0 =	vld.idx.msk [tilespmem:v47+s5+$0x0], $0xffff  }
0x172: {  	v50 =	vld.idx.msk [tilespmem:v48+s5+$0x0], $0xffff;
	_ =	sdelay $0x3  }
0x173: {  	v51 =	vld [tilespmem:s16+$0x28E0]  }
0x174: {  	v52 =	vld [tilespmem:s16+$0x5060];
	v0 =	vadd.s32 v0, v50  }
0x175: {  	v53 =	vadd.s32 $0x1, v0  }
0x176: {  	v0 =	vmul.u32 v0, v53;
	_ =	sdelay $0x1  }
0x177: {  	v0 =	vshra.s32 v0, $0x1  }
0x178: {  	v0 =	vadd.s32 v50, v0  }
0x179: {  	[tilespmem:s16+$0x77D0] =	vst v0  }
0x17a: {  	v0 =	vld.idx.msk [tilespmem:v51+s5+$0x0], $0xffff  }
0x17b: {  	v54 =	vld.idx.msk [tilespmem:v52+s5+$0x0], $0xffff;
	_ =	sdelay $0x3  }
0x17c: {  	v55 =	vld [tilespmem:s16+$0x28F0]  }
0x17d: {  	v56 =	vld [tilespmem:s16+$0x5070];
	v0 =	vadd.s32 v0, v54  }
0x17e: {  	v57 =	vadd.s32 $0x1, v0  }
0x17f: {  	v0 =	vmul.u32 v0, v57;
	_ =	sdelay $0x1  }
0x180: {  	v0 =	vshra.s32 v0, $0x1  }
0x181: {  	v0 =	vadd.s32 v54, v0  }
0x182: {  	[tilespmem:s16+$0x77E0] =	vst v0  }
0x183: {  	v0 =	vld.idx.msk [tilespmem:v55+s5+$0x0], $0xffff  }
0x184: {  	v58 =	vld.idx.msk [tilespmem:v56+s5+$0x0], $0xffff;
	_ =	sdelay $0x3  }
0x185: {  	v59 =	vld [tilespmem:s16+$0x2900]  }
0x186: {  	v60 =	vld [tilespmem:s16+$0x5080];
	v0 =	vadd.s32 v0, v58  }
0x187: {  	v61 =	vadd.s32 $0x1, v0  }
0x188: {  	v0 =	vmul.u32 v0, v61;
	_ =	sdelay $0x1  }
0x189: {  	v0 =	vshra.s32 v0, $0x1  }
0x18a: {  	v0 =	vadd.s32 v58, v0  }
0x18b: {  	[tilespmem:s16+$0x77F0] =	vst v0  }
0x18c: {  	v0 =	vld.idx.msk [tilespmem:v59+s5+$0x0], $0xffff  }
0x18d: {  	v62 =	vld.idx.msk [tilespmem:v60+s5+$0x0], $0xffff;
	_ =	sdelay $0x4  }
0x18e: {  	v0 =	vadd.s32 v0, v62  }
0x18f: {  	v63 =	vadd.s32 $0x1, v0  }
.Ltmp4:
0x190: {  	v0 =	vmul.u32 v0, v63;
	(pc) =	sbr.rel @!p2 .LBB2_3-.Ltmp4, $4  }
0x191: {  	_ = 	snop  }
0x192: {  	v0 =	vshra.s32 v0, $0x1  }
0x193: {  	v0 =	vadd.s32 v62, v0  }
0x194: {  	s30 =	sadd.s32 $0x77C0, s16;
	[tilespmem:s16+$0x7800] =	vst v0  }
0x195: {  	p3 =	seq.s32 s14, $0x9600  }
.Ltmp5:
0x196: {  	_ = 	snop;
	(pc) =	sbr.rel @p3 .LBB2_6-.Ltmp5, $4  }
.Ltmp6:
0x197: {  	_ =	swait.ge [sflag:s1], $0x2800;
	(pc) =	sbr.rel @!p3 .LBB2_5-.Ltmp6, $4  }
0x198: {  	[sflag:s1] =	ssyncset.done $0x0  }
0x199: {  	p2 =	por $0x1, $0x1;
	s16 =	smov.u32 s13;
	[sflag:s1] =	ssyncadd.s32 $0xFFFFD800  }
0x19a: {  	[tilespmem:s21], [sflag:$0x5] =	stream.indirect.gather [spmem:s3], $0x80, s30, s17, $0xb8;
	[tilespmem:$0x1EBC0] =	vst v63  }
0x19b: {  	_ = 	snop  }
.LBB2_8:
0x19c: {  	_ =	sfence.sel $0x180000  }
0x19d: {  	[bflag:$0x0] =	sbarrier.arrive $0xFFFF  }
0x19e: {  	_ =	strace $0x90000047  }
0x19f: {  	s0 =	stileid.u32;
	[bflag:$0x2] =	sbarrier.arrive $0xFFFF  }
0x1a0: {  	p0 =	sne.s32 s0, $0x0;
	s0 =	rddreg [dreg:$0x4]  }
0x1a1: {  	s0 =	sadd.s32 @!p0 $0x100000, s0  }
0x1a2: {  	[sflag:s0] =	ssyncadd.tile.s32 @!p0 $0x1;
	_ =	shalt  }
.Lfunc_end2:
_tile_overlayer_lowered:
.L_overlay_start_2:
0x1a3: {  	(tag) =	ssettag $0x2  }
0x1a4: {  	s0 =	rddreg [dreg:$0x0];
	s2 =	stileid.u32  }
0x1a5: {  	s1 =	rddreg [dreg:$0x1];
	p0 =	sne.s32 s2, $0x0  }
0x1a6: {  	s3 =	rddreg [dreg:$0x2];
	[bflag:$0x3] =	sbarrier.arrive $0xFFFF;
	s2 =	simm.s32 @!p0 $0x1C11  }
0x1a7: {  	[timem:s3], [sflag:s2] =	dma.local @!p0 [hbm:s0], s1  }
0x1a8: {  	s0 =	simm.s32 @!p0 $0x11  }
0x1a9: {  	_ =	swait.ge @!p0 [sflag:s0], s1  }
0x1aa: {  	s1 =	ssub.s32 @!p0 $0x0, s1;
	[sflag:s0] =	ssyncset.done @!p0 $0x0  }
0x1ab: {  	[sflag:s0] =	ssyncadd.s32 @!p0 s1  }
0x1ac: {  	[bflag:$0x3] =	sbarrier.arrive $0xFFFF  }
0x1ad: {  	_ =	shalt  }

</sc_bundles>
